<compile_context>
chip_gen: v7x
topology: tpu7x:2x2x1
jax: 0.10.2.dev20260603
libtpu: 0.0.44.dev20260713+nightly
codegen_flags: <defaults>
</compile_context>

<pallas_src>
import functools

import jax
import jax.numpy as jnp
from jax import lax
from jax.experimental import pallas as pl
from jax.experimental.pallas import tpu as pltpu
from jax.experimental.pallas import tpu_sc as plsc

_TOPK = 8
_NE = 64
_BLOCK = 512
_NW = 32
_TPW = 16384 // _NW


def _logits_kernel(x_ref, w_ref, b_ref, out_ref):
    x = x_ref[...]
    w = w_ref[...]
    out_ref[...] = (
        jax.lax.dot_general(
            x, w, (((1,), (1,)), ((), ())), preferred_element_type=jnp.float32
        )
        + b_ref[...]
    )


def _sc_topk(logits_hbm, wts_hbm, idx_hbm, lg_v, w_v, i_v):
    wid = lax.axis_index("s") * 2 + lax.axis_index("c")
    base = wid * _TPW
    pltpu.sync_copy(logits_hbm.at[pl.ds(base * _NE, _TPW * _NE)], lg_v)

    lanes = lax.iota(jnp.int32, 16)
    neg_inf = jnp.full((16,), -jnp.inf, dtype=jnp.float32)

    def group_body(g, _):
        toks = g * 16 + lanes

        def chunk_body(c, tops):
            tops = list(tops)
            for u in range(8):
                e = c * 8 + u
                v = plsc.load_gather(lg_v, [toks * _NE + e])
                bits = lax.bitcast_convert_type(v, jnp.int32)
                code = jnp.where(
                    bits >= 0, jnp.int32(_NE - 1) - e, jnp.int32(0) + e
                )
                cand = lax.bitcast_convert_type(
                    (bits & jnp.int32(-64)) | code, jnp.float32
                )
                for i in range(_TOPK):
                    hi = jnp.maximum(tops[i], cand)
                    cand = jnp.minimum(tops[i], cand)
                    tops[i] = hi
            return tuple(tops)

        tops = lax.fori_loop(
            0, _NE // 8, chunk_body, (neg_inf,) * _TOPK, unroll=False
        )

        vals = []
        idxs = []
        for i in range(_TOPK):
            mb = lax.bitcast_convert_type(tops[i], jnp.int32)
            low = mb & jnp.int32(_NE - 1)
            idxs.append(jnp.where(mb >= 0, jnp.int32(_NE - 1) - low, low))
            vals.append(
                lax.bitcast_convert_type(mb & jnp.int32(-64), jnp.float32)
            )
        es = [jnp.exp(v - vals[0]) for v in vals]
        tot = es[0]
        for i in range(1, _TOPK):
            tot = tot + es[i]
        for i in range(_TOPK):
            pos = toks * _TOPK + i
            plsc.store_scatter(w_v, [pos], es[i] / tot)
            plsc.store_scatter(i_v, [pos], idxs[i])
        return 0

    lax.fori_loop(0, _TPW // 16, group_body, 0, unroll=False)

    pltpu.sync_copy(w_v, wts_hbm.at[pl.ds(base * _TOPK, _TPW * _TOPK)])
    pltpu.sync_copy(i_v, idx_hbm.at[pl.ds(base * _TOPK, _TPW * _TOPK)])


def kernel(x, W, b):
    n, d = x.shape
    logits = pl.pallas_call(
        _logits_kernel,
        grid=(n // _BLOCK,),
        in_specs=[
            pl.BlockSpec((_BLOCK, d), lambda i: (i, 0)),
            pl.BlockSpec((_NE, d), lambda i: (0, 0)),
            pl.BlockSpec((1, _NE), lambda i: (0, 0)),
        ],
        out_specs=pl.BlockSpec((_BLOCK, _NE), lambda i: (i, 0)),
        out_shape=jax.ShapeDtypeStruct((n, _NE), jnp.float32),
        compiler_params=pltpu.CompilerParams(
            dimension_semantics=("parallel",),
        ),
    )(x, W, b.reshape(1, _NE))

    mesh = plsc.VectorSubcoreMesh(
        core_axis_name="c", subcore_axis_name="s", num_cores=2, num_subcores=16
    )
    wts, idx = pl.kernel(
        _sc_topk,
        out_type=[
            jax.ShapeDtypeStruct((n * _TOPK,), jnp.float32),
            jax.ShapeDtypeStruct((n * _TOPK,), jnp.int32),
        ],
        mesh=mesh,
        scratch_types=[
            pltpu.VMEM((_TPW * _NE,), jnp.float32),
            pltpu.VMEM((_TPW * _TOPK,), jnp.float32),
            pltpu.VMEM((_TPW * _TOPK,), jnp.int32),
        ],
        compiler_params=pltpu.CompilerParams(needs_layout_passes=False),
    )(logits.reshape(n * _NE))
    return wts.reshape(n, _TOPK), idx.reshape(n, _TOPK)

# --- scband reference (transcript-rebuilt; emitter-appended) ---
"""Pipeline reference for scband-mo-op-gate-1975684956478 (READ-ONLY COPY).

The authoritative reference and input builder live on the scoring server;
editing this copy changes nothing except your own understanding.
"""

import jax, jax.numpy as jnp
import numpy as np


def setup_inputs(seed: int = 0) -> dict:
    key = jax.random.key(seed)
    k1, k2, k3 = jax.random.split(key, 3)
    x = jax.random.normal(k1, (16384, 4096), dtype=jnp.float32)
    # gate: nn.Linear(dim=4096, n_operators=64); torch Linear weight is [out, in]
    W = jax.random.normal(k2, (64, 4096), dtype=jnp.float32) * (1.0 / np.sqrt(4096.0))
    b = jax.random.normal(k3, (64,), dtype=jnp.float32) * (1.0 / np.sqrt(4096.0))
    return {"x": x, "W": W, "b": b}


def reference(x, W, b):
    # logits = self.gate(x)
    logits = x @ W.T + b
    # top_logits, top_indices = torch.topk(logits, top_k=8, dim=-1)
    top_logits, top_indices = jax.lax.top_k(logits, 8)
    # weights = F.softmax(top_logits, dim=-1)
    weights = jax.nn.softmax(top_logits, axis=-1)
    return (weights, top_indices)

if __name__ == "__main__":
    import jax
    _d = setup_inputs()
    print(jax.jit(kernel)(*tuple(_d.values())))

</pallas_src>

<mosaic_0001>
#map = affine_map<(d0, d1) -> (0)>
module attributes {stable_mosaic.version = 14 : i64} {
  func.func @_sc_topk(%arg0: i32, %arg1: i32, %arg2: memref<1048576xf32, #tpu.memory_space<hbm>>, %arg3: memref<131072xf32, #tpu.memory_space<hbm>>, %arg4: memref<131072xi32, #tpu.memory_space<hbm>>, %arg5: memref<32768xf32, #tpu.memory_space<vmem>>, %arg6: memref<4096xf32, #tpu.memory_space<vmem>>, %arg7: memref<4096xi32, #tpu.memory_space<vmem>>) attributes {dimension_semantics = [#tpu.dimension_semantics<core_parallel>, #tpu.dimension_semantics<subcore_parallel>], iteration_bounds = array<i64: 2, 16>, scalar_prefetch = 0 : i64, scratch_operands = 3 : i64, tpu.core_type = #tpu.core_type<sc_vector_subcore>, window_params = [{transform_indices = #map}, {transform_indices = #map}, {transform_indices = #map}]} {
    %mul3A = arith.constant 2 : i32
    %mul3A_0 = arith.muli %arg1, %mul3A : i32
    %add3A = arith.addi %mul3A_0, %arg0 : i32
    %mul3A_1 = arith.constant 512 : i32
    %mul3A_2 = arith.muli %add3A, %mul3A_1 : i32
    %mul3A_3 = arith.constant 64 : i32
    %mul3A_4 = arith.muli %mul3A_2, %mul3A_3 : i32
    "tpu.region"() ({
      %run_scoped3A = tpu.sem_alloc : memref<!tpu.dma_semaphore, #tpu.memory_space<semaphore_mem>>
      %dma_start3A = tpu.memref_slice %arg2[%mul3A_4] : memref<1048576xf32, #tpu.memory_space<hbm>> -> memref<32768xf32, #tpu.memory_space<hbm>>
      %dma_start3A_16 = tpu.memref_slice %arg2[%mul3A_4] : memref<1048576xf32, #tpu.memory_space<hbm>> -> memref<32768xf32, #tpu.memory_space<hbm>>
      tpu.enqueue_dma source(%dma_start3A_16 : memref<32768xf32, #tpu.memory_space<hbm>>) target(%arg5 : memref<32768xf32, #tpu.memory_space<vmem>>) target_semaphore(%run_scoped3A : memref<!tpu.dma_semaphore, #tpu.memory_space<semaphore_mem>>)
      %dma_wait3A = tpu.memref_slice %arg2[%mul3A_4] : memref<1048576xf32, #tpu.memory_space<hbm>> -> memref<32768xf32, #tpu.memory_space<hbm>>
      %dma_wait3A_17 = tpu.memref_slice %arg2[%mul3A_4] : memref<1048576xf32, #tpu.memory_space<hbm>> -> memref<32768xf32, #tpu.memory_space<hbm>>
      tpu.wait_dma2 semaphore(%run_scoped3A : memref<!tpu.dma_semaphore, #tpu.memory_space<semaphore_mem>>) src(%dma_wait3A_17 : memref<32768xf32, #tpu.memory_space<hbm>>) dst(%arg5 : memref<32768xf32, #tpu.memory_space<vmem>>)
      tpu.yield
    }) : () -> ()
    %iota3A = tpu.iota {dimensions = array<i32: 0>} : vector<16xi32>
    %broadcast_in_dim3A = arith.constant 0xFF800000 : f32
    %broadcast_in_dim3A_5 = vector.broadcast %broadcast_in_dim3A : f32 to vector<16xf32>
    %scan3A = arith.constant 0 : i32
    %scan3A_6 = arith.constant 0 : i32
    %scan3A_7 = arith.constant 32 : i32
    %scan3A_8 = arith.addi %scan3A_6, %scan3A_7 : i32
    %scan3A_9 = arith.constant 1 : i32
    %scan3A_10 = scf.for %scan3A_16 = %scan3A_6 to %scan3A_8 step %scan3A_9 iter_args(%scan3A_17 = %scan3A) -> (i32)  : i32 {
      %mul3A_18 = arith.constant 16 : i32
      %mul3A_19 = arith.muli %scan3A_16, %mul3A_18 : i32
      %add3A_20 = vector.broadcast %mul3A_19 : i32 to vector<16xi32>
      %add3A_21 = arith.addi %add3A_20, %iota3A : vector<16xi32>
      %scan3A_22 = arith.constant 0 : i32
      %scan3A_23 = arith.constant 8 : i32
      %scan3A_24 = arith.addi %scan3A_22, %scan3A_23 : i32
      %scan3A_25 = arith.constant 1 : i32
      %scan3A_26:8 = scf.for %scan3A_221 = %scan3A_22 to %scan3A_24 step %scan3A_25 iter_args(%scan3A_222 = %broadcast_in_dim3A_5, %scan3A_223 = %broadcast_in_dim3A_5, %scan3A_224 = %broadcast_in_dim3A_5, %scan3A_225 = %broadcast_in_dim3A_5, %scan3A_226 = %broadcast_in_dim3A_5, %scan3A_227 = %broadcast_in_dim3A_5, %scan3A_228 = %broadcast_in_dim3A_5, %scan3A_229 = %broadcast_in_dim3A_5) -> (vector<16xf32>, vector<16xf32>, vector<16xf32>, vector<16xf32>, vector<16xf32>, vector<16xf32>, vector<16xf32>, vector<16xf32>)  : i32 {
        %mul3A_230 = arith.constant 8 : i32
        %mul3A_231 = arith.muli %scan3A_221, %mul3A_230 : i32
        %add3A_232 = arith.constant 0 : i32
        %add3A_233 = arith.addi %mul3A_231, %add3A_232 : i32
        %mul3A_234 = arith.constant 64 : i32
        %mul3A_235 = vector.broadcast %mul3A_234 : i32 to vector<16xi32>
        %mul3A_236 = arith.muli %add3A_21, %mul3A_235 : vector<16xi32>
        %add3A_237 = vector.broadcast %add3A_233 : i32 to vector<16xi32>
        %add3A_238 = arith.addi %mul3A_236, %add3A_237 : vector<16xi32>
        %gather3A = tpu.vector_load_idx %arg5[%add3A_238] : memref<32768xf32, #tpu.memory_space<vmem>>[vector<16xi32>], vector<16xf32>,
        %bitcast_convert_type3A_239 = tpu.bitcast %gather3A : vector<16xf32> -> vector<16xi32>
        %ge3A_240 = arith.constant 0 : i32
        %ge3A_241 = vector.broadcast %ge3A_240 : i32 to vector<16xi32>
        %ge3A_242 = arith.cmpi sge, %bitcast_convert_type3A_239, %ge3A_241 : vector<16xi32>
        %sub3A_243 = arith.constant 63 : i32
        %sub3A_244 = arith.subi %sub3A_243, %add3A_233 : i32
        %add3A_245 = arith.constant 0 : i32
        %add3A_246 = arith.addi %add3A_245, %add3A_233 : i32
        %broadcast_in_dim3A_247 = vector.broadcast %sub3A_244 : i32 to vector<16xi32>
        %broadcast_in_dim3A_248 = vector.broadcast %add3A_246 : i32 to vector<16xi32>
        %select_n3A_249 = arith.select %ge3A_242, %broadcast_in_dim3A_247, %broadcast_in_dim3A_248 : vector<16xi1>, vector<16xi32>
        %and3A_250 = arith.constant -64 : i32
        %and3A_251 = vector.broadcast %and3A_250 : i32 to vector<16xi32>
        %and3A_252 = arith.andi %bitcast_convert_type3A_239, %and3A_251 : vector<16xi32>
        %or3A = arith.ori %and3A_252, %select_n3A_249 : vector<16xi32>
        %bitcast_convert_type3A_253 = tpu.bitcast %or3A : vector<16xi32> -> vector<16xf32>
        %max3A = arith.maximumf %scan3A_222, %bitcast_convert_type3A_253 : vector<16xf32>
        %min3A = arith.minimumf %scan3A_222, %bitcast_convert_type3A_253 : vector<16xf32>
        %max3A_254 = arith.maximumf %scan3A_223, %min3A : vector<16xf32>
        %min3A_255 = arith.minimumf %scan3A_223, %min3A : vector<16xf32>
        %max3A_256 = arith.maximumf %scan3A_224, %min3A_255 : vector<16xf32>
        %min3A_257 = arith.minimumf %scan3A_224, %min3A_255 : vector<16xf32>
        %max3A_258 = arith.maximumf %scan3A_225, %min3A_257 : vector<16xf32>
        %min3A_259 = arith.minimumf %scan3A_225, %min3A_257 : vector<16xf32>
        %max3A_260 = arith.maximumf %scan3A_226, %min3A_259 : vector<16xf32>
        %min3A_261 = arith.minimumf %scan3A_226, %min3A_259 : vector<16xf32>
        %max3A_262 = arith.maximumf %scan3A_227, %min3A_261 : vector<16xf32>
        %min3A_263 = arith.minimumf %scan3A_227, %min3A_261 : vector<16xf32>
        %max3A_264 = arith.maximumf %scan3A_228, %min3A_263 : vector<16xf32>
        %min3A_265 = arith.minimumf %scan3A_228, %min3A_263 : vector<16xf32>
        %max3A_266 = arith.maximumf %scan3A_229, %min3A_265 : vector<16xf32>
        %min3A_267 = arith.minimumf %scan3A_229, %min3A_265 : vector<16xf32>
        %mul3A_268 = arith.constant 8 : i32
        %mul3A_269 = arith.muli %scan3A_221, %mul3A_268 : i32
        %add3A_270 = arith.constant 1 : i32
        %add3A_271 = arith.addi %mul3A_269, %add3A_270 : i32
        %mul3A_272 = arith.constant 64 : i32
        %mul3A_273 = vector.broadcast %mul3A_272 : i32 to vector<16xi32>
        %mul3A_274 = arith.muli %add3A_21, %mul3A_273 : vector<16xi32>
        %add3A_275 = vector.broadcast %add3A_271 : i32 to vector<16xi32>
        %add3A_276 = arith.addi %mul3A_274, %add3A_275 : vector<16xi32>
        %gather3A_277 = tpu.vector_load_idx %arg5[%add3A_276] : memref<32768xf32, #tpu.memory_space<vmem>>[vector<16xi32>], vector<16xf32>,
        %bitcast_convert_type3A_278 = tpu.bitcast %gather3A_277 : vector<16xf32> -> vector<16xi32>
        %ge3A_279 = arith.constant 0 : i32
        %ge3A_280 = vector.broadcast %ge3A_279 : i32 to vector<16xi32>
        %ge3A_281 = arith.cmpi sge, %bitcast_convert_type3A_278, %ge3A_280 : vector<16xi32>
        %sub3A_282 = arith.constant 63 : i32
        %sub3A_283 = arith.subi %sub3A_282, %add3A_271 : i32
        %add3A_284 = arith.constant 0 : i32
        %add3A_285 = arith.addi %add3A_284, %add3A_271 : i32
        %broadcast_in_dim3A_286 = vector.broadcast %sub3A_283 : i32 to vector<16xi32>
        %broadcast_in_dim3A_287 = vector.broadcast %add3A_285 : i32 to vector<16xi32>
        %select_n3A_288 = arith.select %ge3A_281, %broadcast_in_dim3A_286, %broadcast_in_dim3A_287 : vector<16xi1>, vector<16xi32>
        %and3A_289 = arith.constant -64 : i32
        %and3A_290 = vector.broadcast %and3A_289 : i32 to vector<16xi32>
        %and3A_291 = arith.andi %bitcast_convert_type3A_278, %and3A_290 : vector<16xi32>
        %or3A_292 = arith.ori %and3A_291, %select_n3A_288 : vector<16xi32>
        %bitcast_convert_type3A_293 = tpu.bitcast %or3A_292 : vector<16xi32> -> vector<16xf32>
        %max3A_294 = arith.maximumf %max3A, %bitcast_convert_type3A_293 : vector<16xf32>
        %min3A_295 = arith.minimumf %max3A, %bitcast_convert_type3A_293 : vector<16xf32>
        %max3A_296 = arith.maximumf %max3A_254, %min3A_295 : vector<16xf32>
        %min3A_297 = arith.minimumf %max3A_254, %min3A_295 : vector<16xf32>
        %max3A_298 = arith.maximumf %max3A_256, %min3A_297 : vector<16xf32>
        %min3A_299 = arith.minimumf %max3A_256, %min3A_297 : vector<16xf32>
        %max3A_300 = arith.maximumf %max3A_258, %min3A_299 : vector<16xf32>
        %min3A_301 = arith.minimumf %max3A_258, %min3A_299 : vector<16xf32>
        %max3A_302 = arith.maximumf %max3A_260, %min3A_301 : vector<16xf32>
        %min3A_303 = arith.minimumf %max3A_260, %min3A_301 : vector<16xf32>
        %max3A_304 = arith.maximumf %max3A_262, %min3A_303 : vector<16xf32>
        %min3A_305 = arith.minimumf %max3A_262, %min3A_303 : vector<16xf32>
        %max3A_306 = arith.maximumf %max3A_264, %min3A_305 : vector<16xf32>
        %min3A_307 = arith.minimumf %max3A_264, %min3A_305 : vector<16xf32>
        %max3A_308 = arith.maximumf %max3A_266, %min3A_307 : vector<16xf32>
        %min3A_309 = arith.minimumf %max3A_266, %min3A_307 : vector<16xf32>
        %mul3A_310 = arith.constant 8 : i32
        %mul3A_311 = arith.muli %scan3A_221, %mul3A_310 : i32
        %add3A_312 = arith.constant 2 : i32
        %add3A_313 = arith.addi %mul3A_311, %add3A_312 : i32
        %mul3A_314 = arith.constant 64 : i32
        %mul3A_315 = vector.broadcast %mul3A_314 : i32 to vector<16xi32>
        %mul3A_316 = arith.muli %add3A_21, %mul3A_315 : vector<16xi32>
        %add3A_317 = vector.broadcast %add3A_313 : i32 to vector<16xi32>
        %add3A_318 = arith.addi %mul3A_316, %add3A_317 : vector<16xi32>
        %gather3A_319 = tpu.vector_load_idx %arg5[%add3A_318] : memref<32768xf32, #tpu.memory_space<vmem>>[vector<16xi32>], vector<16xf32>,
        %bitcast_convert_type3A_320 = tpu.bitcast %gather3A_319 : vector<16xf32> -> vector<16xi32>
        %ge3A_321 = arith.constant 0 : i32
        %ge3A_322 = vector.broadcast %ge3A_321 : i32 to vector<16xi32>
        %ge3A_323 = arith.cmpi sge, %bitcast_convert_type3A_320, %ge3A_322 : vector<16xi32>
        %sub3A_324 = arith.constant 63 : i32
        %sub3A_325 = arith.subi %sub3A_324, %add3A_313 : i32
        %add3A_326 = arith.constant 0 : i32
        %add3A_327 = arith.addi %add3A_326, %add3A_313 : i32
        %broadcast_in_dim3A_328 = vector.broadcast %sub3A_325 : i32 to vector<16xi32>
        %broadcast_in_dim3A_329 = vector.broadcast %add3A_327 : i32 to vector<16xi32>
        %select_n3A_330 = arith.select %ge3A_323, %broadcast_in_dim3A_328, %broadcast_in_dim3A_329 : vector<16xi1>, vector<16xi32>
        %and3A_331 = arith.constant -64 : i32
        %and3A_332 = vector.broadcast %and3A_331 : i32 to vector<16xi32>
        %and3A_333 = arith.andi %bitcast_convert_type3A_320, %and3A_332 : vector<16xi32>
        %or3A_334 = arith.ori %and3A_333, %select_n3A_330 : vector<16xi32>
        %bitcast_convert_type3A_335 = tpu.bitcast %or3A_334 : vector<16xi32> -> vector<16xf32>
        %max3A_336 = arith.maximumf %max3A_294, %bitcast_convert_type3A_335 : vector<16xf32>
        %min3A_337 = arith.minimumf %max3A_294, %bitcast_convert_type3A_335 : vector<16xf32>
        %max3A_338 = arith.maximumf %max3A_296, %min3A_337 : vector<16xf32>
        %min3A_339 = arith.minimumf %max3A_296, %min3A_337 : vector<16xf32>
        %max3A_340 = arith.maximumf %max3A_298, %min3A_339 : vector<16xf32>
        %min3A_341 = arith.minimumf %max3A_298, %min3A_339 : vector<16xf32>
        %max3A_342 = arith.maximumf %max3A_300, %min3A_341 : vector<16xf32>
        %min3A_343 = arith.minimumf %max3A_300, %min3A_341 : vector<16xf32>
        %max3A_344 = arith.maximumf %max3A_302, %min3A_343 : vector<16xf32>
        %min3A_345 = arith.minimumf %max3A_302, %min3A_343 : vector<16xf32>
        %max3A_346 = arith.maximumf %max3A_304, %min3A_345 : vector<16xf32>
        %min3A_347 = arith.minimumf %max3A_304, %min3A_345 : vector<16xf32>
        %max3A_348 = arith.maximumf %max3A_306, %min3A_347 : vector<16xf32>
        %min3A_349 = arith.minimumf %max3A_306, %min3A_347 : vector<16xf32>
        %max3A_350 = arith.maximumf %max3A_308, %min3A_349 : vector<16xf32>
        %min3A_351 = arith.minimumf %max3A_308, %min3A_349 : vector<16xf32>
        %mul3A_352 = arith.constant 8 : i32
        %mul3A_353 = arith.muli %scan3A_221, %mul3A_352 : i32
        %add3A_354 = arith.constant 3 : i32
        %add3A_355 = arith.addi %mul3A_353, %add3A_354 : i32
        %mul3A_356 = arith.constant 64 : i32
        %mul3A_357 = vector.broadcast %mul3A_356 : i32 to vector<16xi32>
        %mul3A_358 = arith.muli %add3A_21, %mul3A_357 : vector<16xi32>
        %add3A_359 = vector.broadcast %add3A_355 : i32 to vector<16xi32>
        %add3A_360 = arith.addi %mul3A_358, %add3A_359 : vector<16xi32>
        %gather3A_361 = tpu.vector_load_idx %arg5[%add3A_360] : memref<32768xf32, #tpu.memory_space<vmem>>[vector<16xi32>], vector<16xf32>,
        %bitcast_convert_type3A_362 = tpu.bitcast %gather3A_361 : vector<16xf32> -> vector<16xi32>
        %ge3A_363 = arith.constant 0 : i32
        %ge3A_364 = vector.broadcast %ge3A_363 : i32 to vector<16xi32>
        %ge3A_365 = arith.cmpi sge, %bitcast_convert_type3A_362, %ge3A_364 : vector<16xi32>
        %sub3A_366 = arith.constant 63 : i32
        %sub3A_367 = arith.subi %sub3A_366, %add3A_355 : i32
        %add3A_368 = arith.constant 0 : i32
        %add3A_369 = arith.addi %add3A_368, %add3A_355 : i32
        %broadcast_in_dim3A_370 = vector.broadcast %sub3A_367 : i32 to vector<16xi32>
        %broadcast_in_dim3A_371 = vector.broadcast %add3A_369 : i32 to vector<16xi32>
        %select_n3A_372 = arith.select %ge3A_365, %broadcast_in_dim3A_370, %broadcast_in_dim3A_371 : vector<16xi1>, vector<16xi32>
        %and3A_373 = arith.constant -64 : i32
        %and3A_374 = vector.broadcast %and3A_373 : i32 to vector<16xi32>
        %and3A_375 = arith.andi %bitcast_convert_type3A_362, %and3A_374 : vector<16xi32>
        %or3A_376 = arith.ori %and3A_375, %select_n3A_372 : vector<16xi32>
        %bitcast_convert_type3A_377 = tpu.bitcast %or3A_376 : vector<16xi32> -> vector<16xf32>
        %max3A_378 = arith.maximumf %max3A_336, %bitcast_convert_type3A_377 : vector<16xf32>
        %min3A_379 = arith.minimumf %max3A_336, %bitcast_convert_type3A_377 : vector<16xf32>
        %max3A_380 = arith.maximumf %max3A_338, %min3A_379 : vector<16xf32>
        %min3A_381 = arith.minimumf %max3A_338, %min3A_379 : vector<16xf32>
        %max3A_382 = arith.maximumf %max3A_340, %min3A_381 : vector<16xf32>
        %min3A_383 = arith.minimumf %max3A_340, %min3A_381 : vector<16xf32>
        %max3A_384 = arith.maximumf %max3A_342, %min3A_383 : vector<16xf32>
        %min3A_385 = arith.minimumf %max3A_342, %min3A_383 : vector<16xf32>
        %max3A_386 = arith.maximumf %max3A_344, %min3A_385 : vector<16xf32>
        %min3A_387 = arith.minimumf %max3A_344, %min3A_385 : vector<16xf32>
        %max3A_388 = arith.maximumf %max3A_346, %min3A_387 : vector<16xf32>
        %min3A_389 = arith.minimumf %max3A_346, %min3A_387 : vector<16xf32>
        %max3A_390 = arith.maximumf %max3A_348, %min3A_389 : vector<16xf32>
        %min3A_391 = arith.minimumf %max3A_348, %min3A_389 : vector<16xf32>
        %max3A_392 = arith.maximumf %max3A_350, %min3A_391 : vector<16xf32>
        %min3A_393 = arith.minimumf %max3A_350, %min3A_391 : vector<16xf32>
        %mul3A_394 = arith.constant 8 : i32
        %mul3A_395 = arith.muli %scan3A_221, %mul3A_394 : i32
        %add3A_396 = arith.constant 4 : i32
        %add3A_397 = arith.addi %mul3A_395, %add3A_396 : i32
        %mul3A_398 = arith.constant 64 : i32
        %mul3A_399 = vector.broadcast %mul3A_398 : i32 to vector<16xi32>
        %mul3A_400 = arith.muli %add3A_21, %mul3A_399 : vector<16xi32>
        %add3A_401 = vector.broadcast %add3A_397 : i32 to vector<16xi32>
        %add3A_402 = arith.addi %mul3A_400, %add3A_401 : vector<16xi32>
        %gather3A_403 = tpu.vector_load_idx %arg5[%add3A_402] : memref<32768xf32, #tpu.memory_space<vmem>>[vector<16xi32>], vector<16xf32>,
        %bitcast_convert_type3A_404 = tpu.bitcast %gather3A_403 : vector<16xf32> -> vector<16xi32>
        %ge3A_405 = arith.constant 0 : i32
        %ge3A_406 = vector.broadcast %ge3A_405 : i32 to vector<16xi32>
        %ge3A_407 = arith.cmpi sge, %bitcast_convert_type3A_404, %ge3A_406 : vector<16xi32>
        %sub3A_408 = arith.constant 63 : i32
        %sub3A_409 = arith.subi %sub3A_408, %add3A_397 : i32
        %add3A_410 = arith.constant 0 : i32
        %add3A_411 = arith.addi %add3A_410, %add3A_397 : i32
        %broadcast_in_dim3A_412 = vector.broadcast %sub3A_409 : i32 to vector<16xi32>
        %broadcast_in_dim3A_413 = vector.broadcast %add3A_411 : i32 to vector<16xi32>
        %select_n3A_414 = arith.select %ge3A_407, %broadcast_in_dim3A_412, %broadcast_in_dim3A_413 : vector<16xi1>, vector<16xi32>
        %and3A_415 = arith.constant -64 : i32
        %and3A_416 = vector.broadcast %and3A_415 : i32 to vector<16xi32>
        %and3A_417 = arith.andi %bitcast_convert_type3A_404, %and3A_416 : vector<16xi32>
        %or3A_418 = arith.ori %and3A_417, %select_n3A_414 : vector<16xi32>
        %bitcast_convert_type3A_419 = tpu.bitcast %or3A_418 : vector<16xi32> -> vector<16xf32>
        %max3A_420 = arith.maximumf %max3A_378, %bitcast_convert_type3A_419 : vector<16xf32>
        %min3A_421 = arith.minimumf %max3A_378, %bitcast_convert_type3A_419 : vector<16xf32>
        %max3A_422 = arith.maximumf %max3A_380, %min3A_421 : vector<16xf32>
        %min3A_423 = arith.minimumf %max3A_380, %min3A_421 : vector<16xf32>
        %max3A_424 = arith.maximumf %max3A_382, %min3A_423 : vector<16xf32>
        %min3A_425 = arith.minimumf %max3A_382, %min3A_423 : vector<16xf32>
        %max3A_426 = arith.maximumf %max3A_384, %min3A_425 : vector<16xf32>
        %min3A_427 = arith.minimumf %max3A_384, %min3A_425 : vector<16xf32>
        %max3A_428 = arith.maximumf %max3A_386, %min3A_427 : vector<16xf32>
        %min3A_429 = arith.minimumf %max3A_386, %min3A_427 : vector<16xf32>
        %max3A_430 = arith.maximumf %max3A_388, %min3A_429 : vector<16xf32>
        %min3A_431 = arith.minimumf %max3A_388, %min3A_429 : vector<16xf32>
        %max3A_432 = arith.maximumf %max3A_390, %min3A_431 : vector<16xf32>
        %min3A_433 = arith.minimumf %max3A_390, %min3A_431 : vector<16xf32>
        %max3A_434 = arith.maximumf %max3A_392, %min3A_433 : vector<16xf32>
        %min3A_435 = arith.minimumf %max3A_392, %min3A_433 : vector<16xf32>
        %mul3A_436 = arith.constant 8 : i32
        %mul3A_437 = arith.muli %scan3A_221, %mul3A_436 : i32
        %add3A_438 = arith.constant 5 : i32
        %add3A_439 = arith.addi %mul3A_437, %add3A_438 : i32
        %mul3A_440 = arith.constant 64 : i32
        %mul3A_441 = vector.broadcast %mul3A_440 : i32 to vector<16xi32>
        %mul3A_442 = arith.muli %add3A_21, %mul3A_441 : vector<16xi32>
        %add3A_443 = vector.broadcast %add3A_439 : i32 to vector<16xi32>
        %add3A_444 = arith.addi %mul3A_442, %add3A_443 : vector<16xi32>
        %gather3A_445 = tpu.vector_load_idx %arg5[%add3A_444] : memref<32768xf32, #tpu.memory_space<vmem>>[vector<16xi32>], vector<16xf32>,
        %bitcast_convert_type3A_446 = tpu.bitcast %gather3A_445 : vector<16xf32> -> vector<16xi32>
        %ge3A_447 = arith.constant 0 : i32
        %ge3A_448 = vector.broadcast %ge3A_447 : i32 to vector<16xi32>
        %ge3A_449 = arith.cmpi sge, %bitcast_convert_type3A_446, %ge3A_448 : vector<16xi32>
        %sub3A_450 = arith.constant 63 : i32
        %sub3A_451 = arith.subi %sub3A_450, %add3A_439 : i32
        %add3A_452 = arith.constant 0 : i32
        %add3A_453 = arith.addi %add3A_452, %add3A_439 : i32
        %broadcast_in_dim3A_454 = vector.broadcast %sub3A_451 : i32 to vector<16xi32>
        %broadcast_in_dim3A_455 = vector.broadcast %add3A_453 : i32 to vector<16xi32>
        %select_n3A_456 = arith.select %ge3A_449, %broadcast_in_dim3A_454, %broadcast_in_dim3A_455 : vector<16xi1>, vector<16xi32>
        %and3A_457 = arith.constant -64 : i32
        %and3A_458 = vector.broadcast %and3A_457 : i32 to vector<16xi32>
        %and3A_459 = arith.andi %bitcast_convert_type3A_446, %and3A_458 : vector<16xi32>
        %or3A_460 = arith.ori %and3A_459, %select_n3A_456 : vector<16xi32>
        %bitcast_convert_type3A_461 = tpu.bitcast %or3A_460 : vector<16xi32> -> vector<16xf32>
        %max3A_462 = arith.maximumf %max3A_420, %bitcast_convert_type3A_461 : vector<16xf32>
        %min3A_463 = arith.minimumf %max3A_420, %bitcast_convert_type3A_461 : vector<16xf32>
        %max3A_464 = arith.maximumf %max3A_422, %min3A_463 : vector<16xf32>
        %min3A_465 = arith.minimumf %max3A_422, %min3A_463 : vector<16xf32>
        %max3A_466 = arith.maximumf %max3A_424, %min3A_465 : vector<16xf32>
        %min3A_467 = arith.minimumf %max3A_424, %min3A_465 : vector<16xf32>
        %max3A_468 = arith.maximumf %max3A_426, %min3A_467 : vector<16xf32>
        %min3A_469 = arith.minimumf %max3A_426, %min3A_467 : vector<16xf32>
        %max3A_470 = arith.maximumf %max3A_428, %min3A_469 : vector<16xf32>
        %min3A_471 = arith.minimumf %max3A_428, %min3A_469 : vector<16xf32>
        %max3A_472 = arith.maximumf %max3A_430, %min3A_471 : vector<16xf32>
        %min3A_473 = arith.minimumf %max3A_430, %min3A_471 : vector<16xf32>
        %max3A_474 = arith.maximumf %max3A_432, %min3A_473 : vector<16xf32>
        %min3A_475 = arith.minimumf %max3A_432, %min3A_473 : vector<16xf32>
        %max3A_476 = arith.maximumf %max3A_434, %min3A_475 : vector<16xf32>
        %min3A_477 = arith.minimumf %max3A_434, %min3A_475 : vector<16xf32>
        %mul3A_478 = arith.constant 8 : i32
        %mul3A_479 = arith.muli %scan3A_221, %mul3A_478 : i32
        %add3A_480 = arith.constant 6 : i32
        %add3A_481 = arith.addi %mul3A_479, %add3A_480 : i32
        %mul3A_482 = arith.constant 64 : i32
        %mul3A_483 = vector.broadcast %mul3A_482 : i32 to vector<16xi32>
        %mul3A_484 = arith.muli %add3A_21, %mul3A_483 : vector<16xi32>
        %add3A_485 = vector.broadcast %add3A_481 : i32 to vector<16xi32>
        %add3A_486 = arith.addi %mul3A_484, %add3A_485 : vector<16xi32>
        %gather3A_487 = tpu.vector_load_idx %arg5[%add3A_486] : memref<32768xf32, #tpu.memory_space<vmem>>[vector<16xi32>], vector<16xf32>,
        %bitcast_convert_type3A_488 = tpu.bitcast %gather3A_487 : vector<16xf32> -> vector<16xi32>
        %ge3A_489 = arith.constant 0 : i32
        %ge3A_490 = vector.broadcast %ge3A_489 : i32 to vector<16xi32>
        %ge3A_491 = arith.cmpi sge, %bitcast_convert_type3A_488, %ge3A_490 : vector<16xi32>
        %sub3A_492 = arith.constant 63 : i32
        %sub3A_493 = arith.subi %sub3A_492, %add3A_481 : i32
        %add3A_494 = arith.constant 0 : i32
        %add3A_495 = arith.addi %add3A_494, %add3A_481 : i32
        %broadcast_in_dim3A_496 = vector.broadcast %sub3A_493 : i32 to vector<16xi32>
        %broadcast_in_dim3A_497 = vector.broadcast %add3A_495 : i32 to vector<16xi32>
        %select_n3A_498 = arith.select %ge3A_491, %broadcast_in_dim3A_496, %broadcast_in_dim3A_497 : vector<16xi1>, vector<16xi32>
        %and3A_499 = arith.constant -64 : i32
        %and3A_500 = vector.broadcast %and3A_499 : i32 to vector<16xi32>
        %and3A_501 = arith.andi %bitcast_convert_type3A_488, %and3A_500 : vector<16xi32>
        %or3A_502 = arith.ori %and3A_501, %select_n3A_498 : vector<16xi32>
        %bitcast_convert_type3A_503 = tpu.bitcast %or3A_502 : vector<16xi32> -> vector<16xf32>
        %max3A_504 = arith.maximumf %max3A_462, %bitcast_convert_type3A_503 : vector<16xf32>
        %min3A_505 = arith.minimumf %max3A_462, %bitcast_convert_type3A_503 : vector<16xf32>
        %max3A_506 = arith.maximumf %max3A_464, %min3A_505 : vector<16xf32>
        %min3A_507 = arith.minimumf %max3A_464, %min3A_505 : vector<16xf32>
        %max3A_508 = arith.maximumf %max3A_466, %min3A_507 : vector<16xf32>
        %min3A_509 = arith.minimumf %max3A_466, %min3A_507 : vector<16xf32>
        %max3A_510 = arith.maximumf %max3A_468, %min3A_509 : vector<16xf32>
        %min3A_511 = arith.minimumf %max3A_468, %min3A_509 : vector<16xf32>
        %max3A_512 = arith.maximumf %max3A_470, %min3A_511 : vector<16xf32>
        %min3A_513 = arith.minimumf %max3A_470, %min3A_511 : vector<16xf32>
        %max3A_514 = arith.maximumf %max3A_472, %min3A_513 : vector<16xf32>
        %min3A_515 = arith.minimumf %max3A_472, %min3A_513 : vector<16xf32>
        %max3A_516 = arith.maximumf %max3A_474, %min3A_515 : vector<16xf32>
        %min3A_517 = arith.minimumf %max3A_474, %min3A_515 : vector<16xf32>
        %max3A_518 = arith.maximumf %max3A_476, %min3A_517 : vector<16xf32>
        %min3A_519 = arith.minimumf %max3A_476, %min3A_517 : vector<16xf32>
        %mul3A_520 = arith.constant 8 : i32
        %mul3A_521 = arith.muli %scan3A_221, %mul3A_520 : i32
        %add3A_522 = arith.constant 7 : i32
        %add3A_523 = arith.addi %mul3A_521, %add3A_522 : i32
        %mul3A_524 = arith.constant 64 : i32
        %mul3A_525 = vector.broadcast %mul3A_524 : i32 to vector<16xi32>
        %mul3A_526 = arith.muli %add3A_21, %mul3A_525 : vector<16xi32>
        %add3A_527 = vector.broadcast %add3A_523 : i32 to vector<16xi32>
        %add3A_528 = arith.addi %mul3A_526, %add3A_527 : vector<16xi32>
        %gather3A_529 = tpu.vector_load_idx %arg5[%add3A_528] : memref<32768xf32, #tpu.memory_space<vmem>>[vector<16xi32>], vector<16xf32>,
        %bitcast_convert_type3A_530 = tpu.bitcast %gather3A_529 : vector<16xf32> -> vector<16xi32>
        %ge3A_531 = arith.constant 0 : i32
        %ge3A_532 = vector.broadcast %ge3A_531 : i32 to vector<16xi32>
        %ge3A_533 = arith.cmpi sge, %bitcast_convert_type3A_530, %ge3A_532 : vector<16xi32>
        %sub3A_534 = arith.constant 63 : i32
        %sub3A_535 = arith.subi %sub3A_534, %add3A_523 : i32
        %add3A_536 = arith.constant 0 : i32
        %add3A_537 = arith.addi %add3A_536, %add3A_523 : i32
        %broadcast_in_dim3A_538 = vector.broadcast %sub3A_535 : i32 to vector<16xi32>
        %broadcast_in_dim3A_539 = vector.broadcast %add3A_537 : i32 to vector<16xi32>
        %select_n3A_540 = arith.select %ge3A_533, %broadcast_in_dim3A_538, %broadcast_in_dim3A_539 : vector<16xi1>, vector<16xi32>
        %and3A_541 = arith.constant -64 : i32
        %and3A_542 = vector.broadcast %and3A_541 : i32 to vector<16xi32>
        %and3A_543 = arith.andi %bitcast_convert_type3A_530, %and3A_542 : vector<16xi32>
        %or3A_544 = arith.ori %and3A_543, %select_n3A_540 : vector<16xi32>
        %bitcast_convert_type3A_545 = tpu.bitcast %or3A_544 : vector<16xi32> -> vector<16xf32>
        %max3A_546 = arith.maximumf %max3A_504, %bitcast_convert_type3A_545 : vector<16xf32>
        %min3A_547 = arith.minimumf %max3A_504, %bitcast_convert_type3A_545 : vector<16xf32>
        %max3A_548 = arith.maximumf %max3A_506, %min3A_547 : vector<16xf32>
        %min3A_549 = arith.minimumf %max3A_506, %min3A_547 : vector<16xf32>
        %max3A_550 = arith.maximumf %max3A_508, %min3A_549 : vector<16xf32>
        %min3A_551 = arith.minimumf %max3A_508, %min3A_549 : vector<16xf32>
        %max3A_552 = arith.maximumf %max3A_510, %min3A_551 : vector<16xf32>
        %min3A_553 = arith.minimumf %max3A_510, %min3A_551 : vector<16xf32>
        %max3A_554 = arith.maximumf %max3A_512, %min3A_553 : vector<16xf32>
        %min3A_555 = arith.minimumf %max3A_512, %min3A_553 : vector<16xf32>
        %max3A_556 = arith.maximumf %max3A_514, %min3A_555 : vector<16xf32>
        %min3A_557 = arith.minimumf %max3A_514, %min3A_555 : vector<16xf32>
        %max3A_558 = arith.maximumf %max3A_516, %min3A_557 : vector<16xf32>
        %min3A_559 = arith.minimumf %max3A_516, %min3A_557 : vector<16xf32>
        %max3A_560 = arith.maximumf %max3A_518, %min3A_559 : vector<16xf32>
        %min3A_561 = arith.minimumf %max3A_518, %min3A_559 : vector<16xf32>
        scf.yield %max3A_546, %max3A_548, %max3A_550, %max3A_552, %max3A_554, %max3A_556, %max3A_558, %max3A_560 : vector<16xf32>, vector<16xf32>, vector<16xf32>, vector<16xf32>, vector<16xf32>, vector<16xf32>, vector<16xf32>, vector<16xf32>
      }
      %scan3A_27 = arith.constant 8 : i32
      %bitcast_convert_type3A = tpu.bitcast %scan3A_26#0 : vector<16xf32> -> vector<16xi32>
      %and3A = arith.constant 63 : i32
      %and3A_28 = vector.broadcast %and3A : i32 to vector<16xi32>
      %and3A_29 = arith.andi %bitcast_convert_type3A, %and3A_28 : vector<16xi32>
      %ge3A = arith.constant 0 : i32
      %ge3A_30 = vector.broadcast %ge3A : i32 to vector<16xi32>
      %ge3A_31 = arith.cmpi sge, %bitcast_convert_type3A, %ge3A_30 : vector<16xi32>
      %sub3A = arith.constant 63 : i32
      %sub3A_32 = vector.broadcast %sub3A : i32 to vector<16xi32>
      %sub3A_33 = arith.subi %sub3A_32, %and3A_29 : vector<16xi32>
      %select_n3A = arith.select %ge3A_31, %sub3A_33, %and3A_29 : vector<16xi1>, vector<16xi32>
      %and3A_34 = arith.constant -64 : i32
      %and3A_35 = vector.broadcast %and3A_34 : i32 to vector<16xi32>
      %and3A_36 = arith.andi %bitcast_convert_type3A, %and3A_35 : vector<16xi32>
      %bitcast_convert_type3A_37 = tpu.bitcast %and3A_36 : vector<16xi32> -> vector<16xf32>
      %bitcast_convert_type3A_38 = tpu.bitcast %scan3A_26#1 : vector<16xf32> -> vector<16xi32>
      %and3A_39 = arith.constant 63 : i32
      %and3A_40 = vector.broadcast %and3A_39 : i32 to vector<16xi32>
      %and3A_41 = arith.andi %bitcast_convert_type3A_38, %and3A_40 : vector<16xi32>
      %ge3A_42 = arith.constant 0 : i32
      %ge3A_43 = vector.broadcast %ge3A_42 : i32 to vector<16xi32>
      %ge3A_44 = arith.cmpi sge, %bitcast_convert_type3A_38, %ge3A_43 : vector<16xi32>
      %sub3A_45 = arith.constant 63 : i32
      %sub3A_46 = vector.broadcast %sub3A_45 : i32 to vector<16xi32>
      %sub3A_47 = arith.subi %sub3A_46, %and3A_41 : vector<16xi32>
      %select_n3A_48 = arith.select %ge3A_44, %sub3A_47, %and3A_41 : vector<16xi1>, vector<16xi32>
      %and3A_49 = arith.constant -64 : i32
      %and3A_50 = vector.broadcast %and3A_49 : i32 to vector<16xi32>
      %and3A_51 = arith.andi %bitcast_convert_type3A_38, %and3A_50 : vector<16xi32>
      %bitcast_convert_type3A_52 = tpu.bitcast %and3A_51 : vector<16xi32> -> vector<16xf32>
      %bitcast_convert_type3A_53 = tpu.bitcast %scan3A_26#2 : vector<16xf32> -> vector<16xi32>
      %and3A_54 = arith.constant 63 : i32
      %and3A_55 = vector.broadcast %and3A_54 : i32 to vector<16xi32>
      %and3A_56 = arith.andi %bitcast_convert_type3A_53, %and3A_55 : vector<16xi32>
      %ge3A_57 = arith.constant 0 : i32
      %ge3A_58 = vector.broadcast %ge3A_57 : i32 to vector<16xi32>
      %ge3A_59 = arith.cmpi sge, %bitcast_convert_type3A_53, %ge3A_58 : vector<16xi32>
      %sub3A_60 = arith.constant 63 : i32
      %sub3A_61 = vector.broadcast %sub3A_60 : i32 to vector<16xi32>
      %sub3A_62 = arith.subi %sub3A_61, %and3A_56 : vector<16xi32>
      %select_n3A_63 = arith.select %ge3A_59, %sub3A_62, %and3A_56 : vector<16xi1>, vector<16xi32>
      %and3A_64 = arith.constant -64 : i32
      %and3A_65 = vector.broadcast %and3A_64 : i32 to vector<16xi32>
      %and3A_66 = arith.andi %bitcast_convert_type3A_53, %and3A_65 : vector<16xi32>
      %bitcast_convert_type3A_67 = tpu.bitcast %and3A_66 : vector<16xi32> -> vector<16xf32>
      %bitcast_convert_type3A_68 = tpu.bitcast %scan3A_26#3 : vector<16xf32> -> vector<16xi32>
      %and3A_69 = arith.constant 63 : i32
      %and3A_70 = vector.broadcast %and3A_69 : i32 to vector<16xi32>
      %and3A_71 = arith.andi %bitcast_convert_type3A_68, %and3A_70 : vector<16xi32>
      %ge3A_72 = arith.constant 0 : i32
      %ge3A_73 = vector.broadcast %ge3A_72 : i32 to vector<16xi32>
      %ge3A_74 = arith.cmpi sge, %bitcast_convert_type3A_68, %ge3A_73 : vector<16xi32>
      %sub3A_75 = arith.constant 63 : i32
      %sub3A_76 = vector.broadcast %sub3A_75 : i32 to vector<16xi32>
      %sub3A_77 = arith.subi %sub3A_76, %and3A_71 : vector<16xi32>
      %select_n3A_78 = arith.select %ge3A_74, %sub3A_77, %and3A_71 : vector<16xi1>, vector<16xi32>
      %and3A_79 = arith.constant -64 : i32
      %and3A_80 = vector.broadcast %and3A_79 : i32 to vector<16xi32>
      %and3A_81 = arith.andi %bitcast_convert_type3A_68, %and3A_80 : vector<16xi32>
      %bitcast_convert_type3A_82 = tpu.bitcast %and3A_81 : vector<16xi32> -> vector<16xf32>
      %bitcast_convert_type3A_83 = tpu.bitcast %scan3A_26#4 : vector<16xf32> -> vector<16xi32>
      %and3A_84 = arith.constant 63 : i32
      %and3A_85 = vector.broadcast %and3A_84 : i32 to vector<16xi32>
      %and3A_86 = arith.andi %bitcast_convert_type3A_83, %and3A_85 : vector<16xi32>
      %ge3A_87 = arith.constant 0 : i32
      %ge3A_88 = vector.broadcast %ge3A_87 : i32 to vector<16xi32>
      %ge3A_89 = arith.cmpi sge, %bitcast_convert_type3A_83, %ge3A_88 : vector<16xi32>
      %sub3A_90 = arith.constant 63 : i32
      %sub3A_91 = vector.broadcast %sub3A_90 : i32 to vector<16xi32>
      %sub3A_92 = arith.subi %sub3A_91, %and3A_86 : vector<16xi32>
      %select_n3A_93 = arith.select %ge3A_89, %sub3A_92, %and3A_86 : vector<16xi1>, vector<16xi32>
      %and3A_94 = arith.constant -64 : i32
      %and3A_95 = vector.broadcast %and3A_94 : i32 to vector<16xi32>
      %and3A_96 = arith.andi %bitcast_convert_type3A_83, %and3A_95 : vector<16xi32>
      %bitcast_convert_type3A_97 = tpu.bitcast %and3A_96 : vector<16xi32> -> vector<16xf32>
      %bitcast_convert_type3A_98 = tpu.bitcast %scan3A_26#5 : vector<16xf32> -> vector<16xi32>
      %and3A_99 = arith.constant 63 : i32
      %and3A_100 = vector.broadcast %and3A_99 : i32 to vector<16xi32>
      %and3A_101 = arith.andi %bitcast_convert_type3A_98, %and3A_100 : vector<16xi32>
      %ge3A_102 = arith.constant 0 : i32
      %ge3A_103 = vector.broadcast %ge3A_102 : i32 to vector<16xi32>
      %ge3A_104 = arith.cmpi sge, %bitcast_convert_type3A_98, %ge3A_103 : vector<16xi32>
      %sub3A_105 = arith.constant 63 : i32
      %sub3A_106 = vector.broadcast %sub3A_105 : i32 to vector<16xi32>
      %sub3A_107 = arith.subi %sub3A_106, %and3A_101 : vector<16xi32>
      %select_n3A_108 = arith.select %ge3A_104, %sub3A_107, %and3A_101 : vector<16xi1>, vector<16xi32>
      %and3A_109 = arith.constant -64 : i32
      %and3A_110 = vector.broadcast %and3A_109 : i32 to vector<16xi32>
      %and3A_111 = arith.andi %bitcast_convert_type3A_98, %and3A_110 : vector<16xi32>
      %bitcast_convert_type3A_112 = tpu.bitcast %and3A_111 : vector<16xi32> -> vector<16xf32>
      %bitcast_convert_type3A_113 = tpu.bitcast %scan3A_26#6 : vector<16xf32> -> vector<16xi32>
      %and3A_114 = arith.constant 63 : i32
      %and3A_115 = vector.broadcast %and3A_114 : i32 to vector<16xi32>
      %and3A_116 = arith.andi %bitcast_convert_type3A_113, %and3A_115 : vector<16xi32>
      %ge3A_117 = arith.constant 0 : i32
      %ge3A_118 = vector.broadcast %ge3A_117 : i32 to vector<16xi32>
      %ge3A_119 = arith.cmpi sge, %bitcast_convert_type3A_113, %ge3A_118 : vector<16xi32>
      %sub3A_120 = arith.constant 63 : i32
      %sub3A_121 = vector.broadcast %sub3A_120 : i32 to vector<16xi32>
      %sub3A_122 = arith.subi %sub3A_121, %and3A_116 : vector<16xi32>
      %select_n3A_123 = arith.select %ge3A_119, %sub3A_122, %and3A_116 : vector<16xi1>, vector<16xi32>
      %and3A_124 = arith.constant -64 : i32
      %and3A_125 = vector.broadcast %and3A_124 : i32 to vector<16xi32>
      %and3A_126 = arith.andi %bitcast_convert_type3A_113, %and3A_125 : vector<16xi32>
      %bitcast_convert_type3A_127 = tpu.bitcast %and3A_126 : vector<16xi32> -> vector<16xf32>
      %bitcast_convert_type3A_128 = tpu.bitcast %scan3A_26#7 : vector<16xf32> -> vector<16xi32>
      %and3A_129 = arith.constant 63 : i32
      %and3A_130 = vector.broadcast %and3A_129 : i32 to vector<16xi32>
      %and3A_131 = arith.andi %bitcast_convert_type3A_128, %and3A_130 : vector<16xi32>
      %ge3A_132 = arith.constant 0 : i32
      %ge3A_133 = vector.broadcast %ge3A_132 : i32 to vector<16xi32>
      %ge3A_134 = arith.cmpi sge, %bitcast_convert_type3A_128, %ge3A_133 : vector<16xi32>
      %sub3A_135 = arith.constant 63 : i32
      %sub3A_136 = vector.broadcast %sub3A_135 : i32 to vector<16xi32>
      %sub3A_137 = arith.subi %sub3A_136, %and3A_131 : vector<16xi32>
      %select_n3A_138 = arith.select %ge3A_134, %sub3A_137, %and3A_131 : vector<16xi1>, vector<16xi32>
      %and3A_139 = arith.constant -64 : i32
      %and3A_140 = vector.broadcast %and3A_139 : i32 to vector<16xi32>
      %and3A_141 = arith.andi %bitcast_convert_type3A_128, %and3A_140 : vector<16xi32>
      %bitcast_convert_type3A_142 = tpu.bitcast %and3A_141 : vector<16xi32> -> vector<16xf32>
      %sub3A_143 = arith.subf %bitcast_convert_type3A_37, %bitcast_convert_type3A_37 : vector<16xf32>
      %exp3A = math.exp %sub3A_143 : vector<16xf32>
      %sub3A_144 = arith.subf %bitcast_convert_type3A_52, %bitcast_convert_type3A_37 : vector<16xf32>
      %exp3A_145 = math.exp %sub3A_144 : vector<16xf32>
      %sub3A_146 = arith.subf %bitcast_convert_type3A_67, %bitcast_convert_type3A_37 : vector<16xf32>
      %exp3A_147 = math.exp %sub3A_146 : vector<16xf32>
      %sub3A_148 = arith.subf %bitcast_convert_type3A_82, %bitcast_convert_type3A_37 : vector<16xf32>
      %exp3A_149 = math.exp %sub3A_148 : vector<16xf32>
      %sub3A_150 = arith.subf %bitcast_convert_type3A_97, %bitcast_convert_type3A_37 : vector<16xf32>
      %exp3A_151 = math.exp %sub3A_150 : vector<16xf32>
      %sub3A_152 = arith.subf %bitcast_convert_type3A_112, %bitcast_convert_type3A_37 : vector<16xf32>
      %exp3A_153 = math.exp %sub3A_152 : vector<16xf32>
      %sub3A_154 = arith.subf %bitcast_convert_type3A_127, %bitcast_convert_type3A_37 : vector<16xf32>
      %exp3A_155 = math.exp %sub3A_154 : vector<16xf32>
      %sub3A_156 = arith.subf %bitcast_convert_type3A_142, %bitcast_convert_type3A_37 : vector<16xf32>
      %exp3A_157 = math.exp %sub3A_156 : vector<16xf32>
      %add3A_158 = arith.addf %exp3A, %exp3A_145 : vector<16xf32>
      %add3A_159 = arith.addf %add3A_158, %exp3A_147 : vector<16xf32>
      %add3A_160 = arith.addf %add3A_159, %exp3A_149 : vector<16xf32>
      %add3A_161 = arith.addf %add3A_160, %exp3A_151 : vector<16xf32>
      %add3A_162 = arith.addf %add3A_161, %exp3A_153 : vector<16xf32>
      %add3A_163 = arith.addf %add3A_162, %exp3A_155 : vector<16xf32>
      %add3A_164 = arith.addf %add3A_163, %exp3A_157 : vector<16xf32>
      %mul3A_165 = arith.constant 8 : i32
      %mul3A_166 = vector.broadcast %mul3A_165 : i32 to vector<16xi32>
      %mul3A_167 = arith.muli %add3A_21, %mul3A_166 : vector<16xi32>
      %add3A_168 = arith.constant 0 : i32
      %add3A_169 = vector.broadcast %add3A_168 : i32 to vector<16xi32>
      %add3A_170 = arith.addi %mul3A_167, %add3A_169 : vector<16xi32>
      %div3A = arith.divf %exp3A, %add3A_164 : vector<16xf32>
      tpu.vector_store_idx %arg6[%add3A_170], %div3A : memref<4096xf32, #tpu.memory_space<vmem>>[vector<16xi32>], vector<16xf32>,
      tpu.vector_store_idx %arg7[%add3A_170], %select_n3A : memref<4096xi32, #tpu.memory_space<vmem>>[vector<16xi32>], vector<16xi32>,
      %mul3A_171 = arith.constant 8 : i32
      %mul3A_172 = vector.broadcast %mul3A_171 : i32 to vector<16xi32>
      %mul3A_173 = arith.muli %add3A_21, %mul3A_172 : vector<16xi32>
      %add3A_174 = arith.constant 1 : i32
      %add3A_175 = vector.broadcast %add3A_174 : i32 to vector<16xi32>
      %add3A_176 = arith.addi %mul3A_173, %add3A_175 : vector<16xi32>
      %div3A_177 = arith.divf %exp3A_145, %add3A_164 : vector<16xf32>
      tpu.vector_store_idx %arg6[%add3A_176], %div3A_177 : memref<4096xf32, #tpu.memory_space<vmem>>[vector<16xi32>], vector<16xf32>,
      tpu.vector_store_idx %arg7[%add3A_176], %select_n3A_48 : memref<4096xi32, #tpu.memory_space<vmem>>[vector<16xi32>], vector<16xi32>,
      %mul3A_178 = arith.constant 8 : i32
      %mul3A_179 = vector.broadcast %mul3A_178 : i32 to vector<16xi32>
      %mul3A_180 = arith.muli %add3A_21, %mul3A_179 : vector<16xi32>
      %add3A_181 = arith.constant 2 : i32
      %add3A_182 = vector.broadcast %add3A_181 : i32 to vector<16xi32>
      %add3A_183 = arith.addi %mul3A_180, %add3A_182 : vector<16xi32>
      %div3A_184 = arith.divf %exp3A_147, %add3A_164 : vector<16xf32>
      tpu.vector_store_idx %arg6[%add3A_183], %div3A_184 : memref<4096xf32, #tpu.memory_space<vmem>>[vector<16xi32>], vector<16xf32>,
      tpu.vector_store_idx %arg7[%add3A_183], %select_n3A_63 : memref<4096xi32, #tpu.memory_space<vmem>>[vector<16xi32>], vector<16xi32>,
      %mul3A_185 = arith.constant 8 : i32
      %mul3A_186 = vector.broadcast %mul3A_185 : i32 to vector<16xi32>
      %mul3A_187 = arith.muli %add3A_21, %mul3A_186 : vector<16xi32>
      %add3A_188 = arith.constant 3 : i32
      %add3A_189 = vector.broadcast %add3A_188 : i32 to vector<16xi32>
      %add3A_190 = arith.addi %mul3A_187, %add3A_189 : vector<16xi32>
      %div3A_191 = arith.divf %exp3A_149, %add3A_164 : vector<16xf32>
      tpu.vector_store_idx %arg6[%add3A_190], %div3A_191 : memref<4096xf32, #tpu.memory_space<vmem>>[vector<16xi32>], vector<16xf32>,
      tpu.vector_store_idx %arg7[%add3A_190], %select_n3A_78 : memref<4096xi32, #tpu.memory_space<vmem>>[vector<16xi32>], vector<16xi32>,
      %mul3A_192 = arith.constant 8 : i32
      %mul3A_193 = vector.broadcast %mul3A_192 : i32 to vector<16xi32>
      %mul3A_194 = arith.muli %add3A_21, %mul3A_193 : vector<16xi32>
      %add3A_195 = arith.constant 4 : i32
      %add3A_196 = vector.broadcast %add3A_195 : i32 to vector<16xi32>
      %add3A_197 = arith.addi %mul3A_194, %add3A_196 : vector<16xi32>
      %div3A_198 = arith.divf %exp3A_151, %add3A_164 : vector<16xf32>
      tpu.vector_store_idx %arg6[%add3A_197], %div3A_198 : memref<4096xf32, #tpu.memory_space<vmem>>[vector<16xi32>], vector<16xf32>,
      tpu.vector_store_idx %arg7[%add3A_197], %select_n3A_93 : memref<4096xi32, #tpu.memory_space<vmem>>[vector<16xi32>], vector<16xi32>,
      %mul3A_199 = arith.constant 8 : i32
      %mul3A_200 = vector.broadcast %mul3A_199 : i32 to vector<16xi32>
      %mul3A_201 = arith.muli %add3A_21, %mul3A_200 : vector<16xi32>
      %add3A_202 = arith.constant 5 : i32
      %add3A_203 = vector.broadcast %add3A_202 : i32 to vector<16xi32>
      %add3A_204 = arith.addi %mul3A_201, %add3A_203 : vector<16xi32>
      %div3A_205 = arith.divf %exp3A_153, %add3A_164 : vector<16xf32>
      tpu.vector_store_idx %arg6[%add3A_204], %div3A_205 : memref<4096xf32, #tpu.memory_space<vmem>>[vector<16xi32>], vector<16xf32>,
      tpu.vector_store_idx %arg7[%add3A_204], %select_n3A_108 : memref<4096xi32, #tpu.memory_space<vmem>>[vector<16xi32>], vector<16xi32>,
      %mul3A_206 = arith.constant 8 : i32
      %mul3A_207 = vector.broadcast %mul3A_206 : i32 to vector<16xi32>
      %mul3A_208 = arith.muli %add3A_21, %mul3A_207 : vector<16xi32>
      %add3A_209 = arith.constant 6 : i32
      %add3A_210 = vector.broadcast %add3A_209 : i32 to vector<16xi32>
      %add3A_211 = arith.addi %mul3A_208, %add3A_210 : vector<16xi32>
      %div3A_212 = arith.divf %exp3A_155, %add3A_164 : vector<16xf32>
      tpu.vector_store_idx %arg6[%add3A_211], %div3A_212 : memref<4096xf32, #tpu.memory_space<vmem>>[vector<16xi32>], vector<16xf32>,
      tpu.vector_store_idx %arg7[%add3A_211], %select_n3A_123 : memref<4096xi32, #tpu.memory_space<vmem>>[vector<16xi32>], vector<16xi32>,
      %mul3A_213 = arith.constant 8 : i32
      %mul3A_214 = vector.broadcast %mul3A_213 : i32 to vector<16xi32>
      %mul3A_215 = arith.muli %add3A_21, %mul3A_214 : vector<16xi32>
      %add3A_216 = arith.constant 7 : i32
      %add3A_217 = vector.broadcast %add3A_216 : i32 to vector<16xi32>
      %add3A_218 = arith.addi %mul3A_215, %add3A_217 : vector<16xi32>
      %div3A_219 = arith.divf %exp3A_157, %add3A_164 : vector<16xf32>
      tpu.vector_store_idx %arg6[%add3A_218], %div3A_219 : memref<4096xf32, #tpu.memory_space<vmem>>[vector<16xi32>], vector<16xf32>,
      tpu.vector_store_idx %arg7[%add3A_218], %select_n3A_138 : memref<4096xi32, #tpu.memory_space<vmem>>[vector<16xi32>], vector<16xi32>,
      %scan3A_220 = arith.constant 0 : i32
      scf.yield %scan3A_220 : i32
    }
    %scan3A_11 = arith.constant 32 : i32
    %mul3A_12 = arith.constant 8 : i32
    %mul3A_13 = arith.muli %mul3A_2, %mul3A_12 : i32
    "tpu.region"() ({
      %run_scoped3A = tpu.sem_alloc : memref<!tpu.dma_semaphore, #tpu.memory_space<semaphore_mem>>
      %dma_start3A = tpu.memref_slice %arg3[%mul3A_13] : memref<131072xf32, #tpu.memory_space<hbm>> -> memref<4096xf32, #tpu.memory_space<hbm>>
      %dma_start3A_16 = tpu.memref_slice %arg3[%mul3A_13] : memref<131072xf32, #tpu.memory_space<hbm>> -> memref<4096xf32, #tpu.memory_space<hbm>>
      tpu.enqueue_dma source(%arg6 : memref<4096xf32, #tpu.memory_space<vmem>>) target(%dma_start3A_16 : memref<4096xf32, #tpu.memory_space<hbm>>) target_semaphore(%run_scoped3A : memref<!tpu.dma_semaphore, #tpu.memory_space<semaphore_mem>>)
      %dma_wait3A = tpu.memref_slice %arg3[%mul3A_13] : memref<131072xf32, #tpu.memory_space<hbm>> -> memref<4096xf32, #tpu.memory_space<hbm>>
      %dma_wait3A_17 = tpu.memref_slice %arg3[%mul3A_13] : memref<131072xf32, #tpu.memory_space<hbm>> -> memref<4096xf32, #tpu.memory_space<hbm>>
      tpu.wait_dma2 semaphore(%run_scoped3A : memref<!tpu.dma_semaphore, #tpu.memory_space<semaphore_mem>>) src(%arg6 : memref<4096xf32, #tpu.memory_space<vmem>>) dst(%dma_wait3A_17 : memref<4096xf32, #tpu.memory_space<hbm>>)
      tpu.yield
    }) : () -> ()
    %mul3A_14 = arith.constant 8 : i32
    %mul3A_15 = arith.muli %mul3A_2, %mul3A_14 : i32
    "tpu.region"() ({
      %run_scoped3A = tpu.sem_alloc : memref<!tpu.dma_semaphore, #tpu.memory_space<semaphore_mem>>
      %dma_start3A = tpu.memref_slice %arg4[%mul3A_15] : memref<131072xi32, #tpu.memory_space<hbm>> -> memref<4096xi32, #tpu.memory_space<hbm>>
      %dma_start3A_16 = tpu.memref_slice %arg4[%mul3A_15] : memref<131072xi32, #tpu.memory_space<hbm>> -> memref<4096xi32, #tpu.memory_space<hbm>>
      tpu.enqueue_dma source(%arg7 : memref<4096xi32, #tpu.memory_space<vmem>>) target(%dma_start3A_16 : memref<4096xi32, #tpu.memory_space<hbm>>) target_semaphore(%run_scoped3A : memref<!tpu.dma_semaphore, #tpu.memory_space<semaphore_mem>>)
      %dma_wait3A = tpu.memref_slice %arg4[%mul3A_15] : memref<131072xi32, #tpu.memory_space<hbm>> -> memref<4096xi32, #tpu.memory_space<hbm>>
      %dma_wait3A_17 = tpu.memref_slice %arg4[%mul3A_15] : memref<131072xi32, #tpu.memory_space<hbm>> -> memref<4096xi32, #tpu.memory_space<hbm>>
      tpu.wait_dma2 semaphore(%run_scoped3A : memref<!tpu.dma_semaphore, #tpu.memory_space<semaphore_mem>>) src(%arg7 : memref<4096xi32, #tpu.memory_space<vmem>>) dst(%dma_wait3A_17 : memref<4096xi32, #tpu.memory_space<hbm>>)
      tpu.yield
    }) : () -> ()
    return
  }
}

module attributes {stable_mosaic.version = 14 : i64} {
  func.func @_logits_kernel(%arg0: i32, %arg1: memref<512x4096xf32, #tpu.memory_space<vmem>>, %arg2: memref<64x4096xf32, #tpu.memory_space<vmem>>, %arg3: memref<1x64xf32, #tpu.memory_space<vmem>>, %arg4: memref<512x64xf32, #tpu.memory_space<vmem>>) attributes {dimension_semantics = [#tpu.dimension_semantics<parallel>], iteration_bounds = array<i64: 32>, scalar_prefetch = 0 : i64, scratch_operands = 0 : i64, tpu.core_type = #tpu.core_type<tc>, window_params = [{transform_indices = @transform_0, window_bounds = array<i64: 512, 4096>}, {pipeline_mode = #tpu.pipeline_mode<synchronous>, transform_indices = @transform_1, window_bounds = array<i64: 64, 4096>}, {pipeline_mode = #tpu.pipeline_mode<synchronous>, transform_indices = @transform_2, window_bounds = array<i64: 1, 64>}, {transform_indices = @transform_3, window_bounds = array<i64: 512, 64>}]} {
    %get3A = arith.constant 0 : index
    %get3A_0 = arith.constant 0 : index
    %get3A_1 = vector.load %arg1[%get3A, %get3A_0] : memref<512x4096xf32, #tpu.memory_space<vmem>>, vector<512x4096xf32>
    %get3A_2 = arith.constant 0 : index
    %get3A_3 = arith.constant 0 : index
    %get3A_4 = vector.load %arg2[%get3A_2, %get3A_3] : memref<64x4096xf32, #tpu.memory_space<vmem>>, vector<64x4096xf32>
    %dot_general3A = arith.constant dense<0.000000e+00> : vector<512x64xf32>
    %dot_general3A_5 = tpu.matmul %get3A_1, %get3A_4, %dot_general3A {dimension_numbers = #tpu.dot_dimension_numbers<[1], [1], [0], [0], [0, 0, 1, 0], [], []>, transpose_lhs_hint = false} : vector<512x4096xf32>, vector<64x4096xf32>, vector<512x64xf32> -> vector<512x64xf32>
    %get3A_6 = arith.constant 0 : index
    %get3A_7 = arith.constant 0 : index
    %get3A_8 = vector.load %arg3[%get3A_6, %get3A_7] : memref<1x64xf32, #tpu.memory_space<vmem>>, vector<1x64xf32>
    %add3A = vector.broadcast %get3A_8 : vector<1x64xf32> to vector<512x64xf32>
    %add3A_9 = arith.addf %dot_general3A_5, %add3A : vector<512x64xf32>
    %swap3A = arith.constant 0 : index
    %swap3A_10 = arith.constant 0 : index
    %swap3A_11 = vector.load %arg4[%swap3A, %swap3A_10] : memref<512x64xf32, #tpu.memory_space<vmem>>, vector<512x64xf32>
    tpu.vector_store %arg4[%swap3A, %swap3A_10], %add3A_9 {strides = array<i32>} : memref<512x64xf32, #tpu.memory_space<vmem>>, vector<512x64xf32>,
    return
  }
  func.func @transform_0(%arg0: i32) -> (i32, i32) {
    %c0_i32 = arith.constant 0 : i32
    %c0_i32_0 = arith.constant 0 : i32
    return %arg0, %c0_i32 : i32, i32
  }
  func.func @transform_1(%arg0: i32) -> (i32, i32) {
    %c0_i32 = arith.constant 0 : i32
    %c0_i32_0 = arith.constant 0 : i32
    %c0_i32_1 = arith.constant 0 : i32
    return %c0_i32, %c0_i32_0 : i32, i32
  }
  func.func @transform_2(%arg0: i32) -> (i32, i32) {
    %c0_i32 = arith.constant 0 : i32
    %c0_i32_0 = arith.constant 0 : i32
    %c0_i32_1 = arith.constant 0 : i32
    return %c0_i32, %c0_i32_0 : i32, i32
  }
  func.func @transform_3(%arg0: i32) -> (i32, i32) {
    %c0_i32 = arith.constant 0 : i32
    %c0_i32_0 = arith.constant 0 : i32
    return %arg0, %c0_i32 : i32, i32
  }
}

</mosaic_0001>

<sc_bundles>
// kernel: kernel.4.cloned.1.call-start
scs
__scs_entry_jumppad:
0x0: {  	(pc) =	sbr.rel $0x88, $3  }
0x1: {  	(tag) =	ssettag $0x0;
	lr =	simm.s32 $0x1  }
0x2: {  	[smem:$0x3F9E] =	sst lr;
	_ =	strace $0xD0000000  }
0x3: {  	_ = 	snop  }
0x4: {  	_ = 	snop  }
0x5: {  	_ = 	snop  }
0x6: {  	_ = 	snop  }
0x7: {  	_ = 	snop  }
__scs_overlays_trampoline_lowered:
0x8: {  	[smem:$0x3FAD] =	sst s0  }
0x9: {  	[smem:$0x3FAE] =	sst s1  }
0xa: {  	[smem:$0x3FAF] =	sst s2  }
0xb: {  	[smem:$0x3FB0] =	sst s3  }
0xc: {  	[smem:$0x3FB1] =	sst s4  }
0xd: {  	[smem:$0x3FB2] =	sst s5  }
0xe: {  	[smem:$0x3FB3] =	sst s6  }
0xf: {  	[smem:$0x3FB4] =	sst s7  }
0x10: {  	[smem:$0x3FB5] =	sst s8  }
0x11: {  	[smem:$0x3FB6] =	sst s9;
	s0 =	simm.s32 @!p0 $0x0  }
0x12: {  	s1 =	sld [smem:$0x3F9C];
	s0 =	simm.s32 @p0 $0x1  }
0x13: {  	[smem:$0x3FB7] =	sst s0;
	s0 =	simm.s32 @!p1 $0x0  }
0x14: {  	s2 =	sld [smem:$0x3F9B];
	s0 =	simm.s32 @p1 $0x1  }
0x15: {  	[smem:$0x3FB8] =	sst s0;
	s0 =	simm.s32 @!p2 $0x0  }
0x16: {  	s3 =	sld [smem:$0x3FDB];
	s0 =	simm.s32 @p2 $0x1  }
0x17: {  	s4 =	simm.s32 $0x1BF5;
	[smem:$0x3FBA] =	sst s0  }
0x18: {  	s0 =	sld [smem:$0x3F9D];
	_ =	swait.ge [sflag:s4], $0x0  }
0x19: {  	s7 =	sld [smem:$0x3F9E]  }
0x1a: {  	s8 =	sadd.s32 $0xFFFFE003, lr  }
0x1b: {  	s9 =	sadd.s32 $0xFFFFFEF7, lr;
	s5 =	simm.s32 $0xFFFFFFFF;
	p2 =	slt.u32 s8, $0xFFFFF086  }
0x1c: {  	p1 =	slt.u32 s9, $0xF7A;
	s5 =	simm.s32 @!p2 $0x0  }
0x1d: {  	s5 =	simm.s32 @p1 $0x1;
	p0 =	seq.s32 s7, s2  }
0x1e: {  	s7 =	smul.u32 @!p0 $0xF7A, s2;
	p2 =	seq.s32 @!p0 s5, $0x0  }
0x1f: {  	s9 =	smul.u32 $0xF7A, s1;
	s8 =	simm.s32 @!p0 $0x1BF5;
	p2 =	por !p2, p0  }
0x20: {  	[sflag:s8] =	ssyncset.s32 @!p0 $0xFFFFF086;
	s6 =	sadd.s32 @!p0 s3, s7;
	s7 =	simm.s32 @!p0 $0x108  }
0x21: {  	s3 =	sadd.s32 s3, s9;
	s6 =	sadd.s32 @!p0 $0x88, s6;
	s7 =	simm.s32 @p2 $0x1082  }
0x22: {  	[simem:s7], [sflag:s8] =	dma.local @!p0 [hbm:s6], $0xF7A  }
0x23: {  	s9 =	sor.u32 $0xD0000000, s2;
	s6 =	simm.s32 $0x108;
	_ =	swait.ge @!p0 [sflag:s8], $0x0  }
0x24: {  	s3 =	sadd.s32 $0x88, s3;
	s6 =	simm.s32 @!p1 $0x1082;
	[sflag:s4] =	ssyncset.s32 $0xFFFFF086  }
0x25: {  	[simem:s6], [sflag:s4] =	dma.local [hbm:s3], $0xF7A  }
0x26: {  	[smem:$0x3F9E] =	sst s1;
	(tag) =	ssettag s2;
	_ =	strace s9  }
0x27: {  	s1 =	sld [smem:$0x3FAE]  }
0x28: {  	s2 =	sld [smem:$0x3FAF]  }
0x29: {  	s4 =	sld [smem:$0x3FB1]  }
0x2a: {  	p0 =	seq.s32 s5, $0x0;
	s5 =	sld [smem:$0x3FB2]  }
0x2b: {  	s6 =	sld [smem:$0x3FB3]  }
0x2c: {  	s7 =	sld [smem:$0x3FB4]  }
0x2d: {  	s3 =	simm.s32 $0x108;
	s8 =	sld [smem:$0x3FB5]  }
0x2e: {  	s3 =	simm.s32 @!p0 $0x1082;
	s9 =	sld [smem:$0x3FB6]  }
0x2f: {  	lr =	sadd.s32 s0, s3;
	s0 =	sld [smem:$0x3FAD]  }
0x30: {  	s3 =	sld [smem:$0x3FB0]  }
0x31: {  	[smem:$0x3FB9] =	sst s10  }
0x32: {  	s10 =	sld [smem:$0x3FB7];
	_ =	sdelay $0x3  }
0x33: {  	p0 =	seq.s32 s10, $0x1;
	s10 =	sld [smem:$0x3FB9];
	_ =	sdelay $0x3  }
0x34: {  	[smem:$0x3FB9] =	sst s10  }
0x35: {  	s10 =	sld [smem:$0x3FB8];
	_ =	sdelay $0x3  }
0x36: {  	p1 =	seq.s32 s10, $0x1;
	s10 =	sld [smem:$0x3FB9];
	_ =	sdelay $0x3  }
0x37: {  	[smem:$0x3FB9] =	sst s10  }
0x38: {  	s10 =	sld [smem:$0x3FBA]  }
0x39: {  	_ = 	snop;
	(pc) =	sbr.ind lr, $3  }
0x3a: {  	_ = 	snop  }
0x3b: {  	_ = 	snop  }
0x3c: {  	p2 =	seq.s32 s10, $0x1;
	s10 =	sld [smem:$0x3FB9]  }
0x3d: {  	_ =	shalt  }
0x3e: {  	_ =	shalt  }
0x3f: {  	_ =	shalt  }
0x40: {  	_ =	shalt  }
0x41: {  	_ =	shalt  }
0x42: {  	_ =	shalt  }
0x43: {  	_ =	shalt  }
0x44: {  	_ =	shalt  }
0x45: {  	_ =	shalt  }
0x46: {  	_ =	shalt  }
0x47: {  	_ =	shalt  }
0x48: {  	_ =	shalt  }
0x49: {  	_ =	shalt  }
0x4a: {  	_ =	shalt  }
0x4b: {  	_ =	shalt  }
0x4c: {  	_ =	shalt  }
0x4d: {  	_ =	shalt  }
0x4e: {  	_ =	shalt  }
0x4f: {  	_ =	shalt  }
0x50: {  	_ =	shalt  }
0x51: {  	_ =	shalt  }
0x52: {  	_ =	shalt  }
0x53: {  	_ =	shalt  }
0x54: {  	_ =	shalt  }
0x55: {  	_ =	shalt  }
0x56: {  	_ =	shalt  }
0x57: {  	_ =	shalt  }
0x58: {  	_ =	shalt  }
0x59: {  	_ =	shalt  }
0x5a: {  	_ =	shalt  }
0x5b: {  	_ =	shalt  }
0x5c: {  	_ =	shalt  }
0x5d: {  	_ =	shalt  }
0x5e: {  	_ =	shalt  }
0x5f: {  	_ =	shalt  }
0x60: {  	_ =	shalt  }
0x61: {  	_ =	shalt  }
0x62: {  	_ =	shalt  }
0x63: {  	_ =	shalt  }
0x64: {  	_ =	shalt  }
0x65: {  	_ =	shalt  }
0x66: {  	_ =	shalt  }
0x67: {  	_ =	shalt  }
0x68: {  	_ =	shalt  }
0x69: {  	_ =	shalt  }
0x6a: {  	_ =	shalt  }
0x6b: {  	_ =	shalt  }
0x6c: {  	_ =	shalt  }
0x6d: {  	_ =	shalt  }
0x6e: {  	_ =	shalt  }
0x6f: {  	_ =	shalt  }
0x70: {  	_ =	shalt  }
0x71: {  	_ =	shalt  }
0x72: {  	_ =	shalt  }
0x73: {  	_ =	shalt  }
0x74: {  	_ =	shalt  }
0x75: {  	_ =	shalt  }
0x76: {  	_ =	shalt  }
0x77: {  	_ =	shalt  }
0x78: {  	_ =	shalt  }
0x79: {  	_ =	shalt  }
0x7a: {  	_ =	shalt  }
0x7b: {  	_ =	shalt  }
0x7c: {  	_ =	shalt  }
0x7d: {  	_ =	shalt  }
0x7e: {  	_ =	shalt  }
0x7f: {  	_ =	shalt  }
0x80: {  	_ =	shalt  }
0x81: {  	_ =	shalt  }
0x82: {  	_ =	shalt  }
0x83: {  	_ =	shalt  }
0x84: {  	_ =	shalt  }
0x85: {  	_ =	shalt  }
0x86: {  	_ =	shalt  }
0x87: {  	_ =	shalt  }
.Lfunc_end0:
.L_simem_size_0:
called_computation_lowered:
.L_overlay_start_0:
0x88: {  	s2 =	sld [smem:$0x3FD9]  }
0x89: {  	s3 =	sld [smem:$0x3FFE];
	_ =	sdelay $0x1  }
0x8a: {  	s1 =	srdreg.scid  }
0x8b: {  	s0 =	sand.u32 $0x1, s1  }
0x8c: {  	s14 =	sshll.u32 s0, $0xA;
	s2 =	sadd.s32 s3, s2  }
0x8d: {  	s2 =	sadd.s32 s2, s14  }
0x8e: {  	[smem:$0x3FC5] =	sst s2  }
0x8f: {  	_ = 	snop  }
0x90: {  	s2 =	sld [smem:$0x3FD0];
	_ =	sdelay $0x2  }
0x91: {  	s15 =	simm.s32 $0xA;
	s4 =	simm.s32 $0x10  }
0x92: {  	[smem:s4], [sflag:s15] =	dma.local [hbm:s2], $0x1  }
0x93: {  	_ =	swait.eq [sflag:s15], $0x1  }
0x94: {  	[sflag:s15] =	ssyncset.done $0x0  }
0x95: {  	[sflag:s15] =	ssyncadd.s32 $0xFFFFFFFF  }
0x96: {  	s16 =	sld [smem:$0x11];
	(tm) =	ssettm $0x1  }
0x97: {  	s17 =	sld [smem:$0x3FFB];
	_ =	sdelay $0x3  }
0x98: {  	_ =	strace s17  }
0x99: {  	s3 =	sld [smem:$0x3FFC];
	_ =	sdelay $0x3  }
0x9a: {  	_ =	strace s3  }
0x9b: {  	s3 =	sld [smem:$0x3FFD];
	_ =	sdelay $0x3  }
0x9c: {  	_ =	strace s3  }
0x9d: {  	_ =	strace $0x8FFFFFFF  }
0x9e: {  	s18 =	sld [smem:$0x3FDB];
	_ =	sdelay $0x1  }
0x9f: {  	s19 =	simm.s32 $_scs_section_size  }
0xa0: {  	s5 =	simm.s32 $_size__tile_overlayer_lowered;
	s6 =	simm.s32 $_tile_overlayer_lowered  }
0xa1: {  	s22 =	simm.s32 $0x1BFF;
	s21 =	sshll.u32 s6, $0x1;
	s3 =	sadd.s32 s19, s18  }
0xa2: {  	s7 =	simm.s32 $0x0;
	s20 =	sshll.u32 s5, $0x1;
	s5 =	sadd.s32 s21, s3  }
0xa3: {  	[timem:s7], [sflag:s22] =	dma.local [hbm:s5], s20  }
0xa4: {  	_ =	swait.ge [sflag:s22], s20  }
0xa5: {  	s4 =	ssub.s32 $0x0, s20;
	[sflag:s22] =	ssyncset.done $0x0  }
0xa6: {  	[sflag:s22] =	ssyncadd.s32 s4;
	_ =	sdelay $0x1  }
0xa7: {  	s23 =	simm.s32 $0x1B8B  }
0xa8: {  	_ =	swait.ge [sflag:s23], $0x1  }
0xa9: {  	[sflag:s23] =	ssyncset.done $0x0  }
0xaa: {  	s25 =	simm.s32 $0x1B8E;
	s24 =	sld [smem:$0x3FFE];
	[sflag:s23] =	ssyncadd.s32 $0xFFFFFFFF  }
0xab: {  	s26 =	simm.s32 $execute0_lowered;
	[smem:$0x3FD2] =	sst s25  }
0xac: {  	s5 =	sshll.u32 s26, $0x1;
	_ =	strace $0x80000046;
	[dreg:$0x1] =	wrdreg $0xFFFFFFFF  }
0xad: {  	s28 =	simm.s32 $_size_execute0_lowered;
	s3 =	sadd.s32 s3, s5;
	[dreg:$0x0] =	wrdreg $0x0  }
0xae: {  	s5 =	sshll.u32 s28, $0x1;
	[dreg:$0x2] =	wrdreg s3  }
0xaf: {  	[dreg:$0x3] =	wrdreg s5  }
0xb0: {  	[dreg:$0x4] =	wrdreg $0xC0  }
0xb1: {  	_ =	task [dreg:s7], $0x5FFFF  }
0xb2: {  	[dreg:$0x1] =	wrdreg $0xFFFFFFFF  }
0xb3: {  	[dreg:$0x0] =	wrdreg $0x60  }
0xb4: {  	[dreg:$0x2] =	wrdreg s24  }
0xb5: {  	[dreg:$0x3] =	wrdreg s16  }
0xb6: {  	[dreg:$0x4] =	wrdreg $0x9  }
0xb7: {  	_ =	task.clear_ibuf [dreg:s7], $0x5FFFF;
	_ =	strace $0x90000046  }
0xb8: {  	s29 =	simm.s32 $0x9;
	_ =	strace $0x80000048  }
0xb9: {  	_ =	swait.ge [sflag:s29], $0x1  }
0xba: {  	[sflag:s29] =	ssyncadd.s32 $0xFFFFFFFF  }
0xbb: {  	_ =	strace $0x90000048  }
0xbc: {  	_ =	sfence  }
0xbd: {  	s30 =	sld [smem:$0x0];
	_ =	sdelay $0x2  }
0xbe: {  	s31 =	sshll.u32 s1, $0xD;
	s1 =	sshrl.u32 s1, $0x2  }
0xbf: {  	s3 =	sand.u32 $0x4000, s31;
	s1 =	sadd.s32 s1, s30  }
0xc0: {  	s0 =	sor.u32 s3, s0;
	s1 =	sshll.u32 s1, $0x11  }
0xc1: {  	s0 =	sor.u32 s1, s0  }
0xc2: {  	s0 =	sadd.s32 $0x8F2B, s0  }
0xc3: {  	[sflag:s0] =	ssyncadd.remote.s32 $0x1  }
0xc4: {  	_ =	sfence.sel $0xFFFF  }
0xc5: {  	[dreg:$0x0] =	wrdreg $0xFFFFFFFF;
	(pc) =	sbr.abs _section_cstart, $3  }
0xc6: {  	[dreg:$0x1] =	wrdreg $0xFFFFFFFF  }
0xc7: {  	_ =	task.clear_ibuf [dreg:s7], $0x2FFFF;
	_ =	strace $0x9FFFFFFF  }
0xc8: {  	(tm) =	ssettm $0x7FFFFFFF  }
0xc9: {  	_ =	shalt  }
tec
execute0_lowered:
.L_overlay_start_1:
0x0: {  	(tag) =	ssettag $0x1  }
0x1: {  	s3 =	rddreg [dreg:$0x0]  }
0x2: {  	s4 =	rddreg [dreg:$0x1]  }
0x3: {  	s0 =	rddreg [dreg:$0x2]  }
0x4: {  	s5 =	srdreg.scid;
	s1 =	stileid.u32  }
0x5: {  	s2 =	simm.s32 $0x0;
	s5 =	sand.u32 $0x1, s5;
	s6 =	sshll.u32 s1, $0x1  }
0x6: {  	s10 =	simm.s32 $0x0;
	[smem:$0x7FF] =	sst s2;
	s6 =	sor.u32 s5, s6  }
0x7: {  	_ =	strace $0x80000047;
	s5 =	ssub.s32 $0x2, s5;
	s7 =	sshll.u32 s6, $0xC  }
0x8: {  	s6 =	sshll.u32 s6, $0x9;
	s31 =	sshrl.u32 s5, $0x1;
	s7 =	sadd.s32 s7, s3  }
0x9: {  	s8 =	sadd.s32 s6, s3;
	s9 =	ssub.s32 s5, s31;
	s4 =	sadd.s32 s4, s6  }
0xa: {  	s3 =	sadd.s32 $0xE00, s7;
	s5 =	sadd.s32 $0x20E00, s8;
	s6 =	smax.u32 s9, $0x1  }
0xb: {  	v0 =	vlaneseq.u32;
	s7 =	simm.s32 $0x1;
	s8 =	simm.s32 $0x8000;
	s9 =	simm.s32 $0x9000  }
.LBB2_1:
0xc: {  	[tilespmem:s2], [sflag:$0x1] =	stream.linear.gather [hbm4b:s3+s2], $0x8000, $0x38;
	[tilespmem:$0xA000] =	vst v63  }
0xd: {  	_ =	swait.ge [sflag:s7], $0x8000  }
0xe: {  	[sflag:s7] =	ssyncset.done $0x0  }
0xf: {  	s11 =	simm.s32 $0x0;
	[sflag:s7] =	ssyncadd.s32 $0xFFFF8000  }
.LBB2_2:
0x10: {  	s12 =	sshll.u32 s11, $0x4  }
0x11: {  	v1 =	vor.u32 s12, v0  }
0x12: {  	s13 =	simm.s32 $0x1;
	v2 =	vshll.u32 v1, $0x6  }
0x13: {  	s24 =	simm.s32 $0x5;
	v3 =	vor.u32 s13, v2  }
0x14: {  	s14 =	simm.s32 $0x2;
	v4 =	vor.u32 s24, v2  }
0x15: {  	s15 =	simm.s32 $0x4;
	v5 =	vor.u32 s14, v2  }
0x16: {  	s16 =	simm.s32 $0x0;
	v6 =	vor.u32 s15, v2  }
0x17: {  	s17 =	simm.s32 $0x6;
	v7 =	vor.u32 s16, v2  }
0x18: {  	s18 =	simm.s32 $0x3;
	v8 =	vor.u32 s17, v2;
	v3 =	vld.idx.msk [tilespmem:v3+s2+$0x0], $0xffff  }
0x19: {  	v9 =	vor.u32 s18, v2;
	v4 =	vld.idx.msk [tilespmem:v4+s2+$0x0], $0xffff  }
0x1a: {  	s30 =	simm.s32 $0x7;
	v5 =	vld.idx.msk [tilespmem:v5+s2+$0x0], $0xffff  }
0x1b: {  	v19 =	vor.u32 s30, v2;
	v6 =	vld.idx.msk [tilespmem:v6+s2+$0x0], $0xffff  }
0x1c: {  	v7 =	vld.idx.msk [tilespmem:v7+s2+$0x0], $0xffff  }
0x1d: {  	s19 =	simm.s32 $0x3E;
	s20 =	simm.s32 $0x3D;
	v14 =	vld.idx.msk [tilespmem:v8+s2+$0x0], $0xffff  }
0x1e: {  	v11 =	vimm.f32 $-Inf;
	s21 =	simm.s32 $0x3F;
	s26 =	simm.s32 $0x3A;
	s29 =	simm.s32 $0x3C;
	v10 =	vmov s19;
	v12 =	vmov s20;
	v9 =	vld.idx.msk [tilespmem:v9+s2+$0x0], $0xffff  }
0x1f: {  	s25 =	simm.s32 $0x3B;
	s31 =	simm.s32 $0x38;
	v13 =	vmov s21;
	v15 =	vmov s26;
	v17 =	vmov s29  }
0x20: {  	v20 =	vmov s31;
	v8 =	vmov s25;
	v19 =	vld.idx.msk [tilespmem:v19+s2+$0x0], $0xffff;
	vm0 =	vlt.s32 v4, $0x0  }
0x21: {  	vm1 =	vlt.s32 v5, $0x0;
	vm2 =	vlt.s32 v3, $0x0;
	vm12 =	vlt.s32 v6, $0x0  }
0x22: {  	vm3 =	vlt.s32 v7, $0x0;
	v3 =	vand.u32 $0xFFFFFFC0, v3;
	v7 =	vand.u32 $0xFFFFFFC0, v7  }
0x23: {  	vm13 =	vlt.s32 v14, $0x0;
	v6 =	vand.u32 $0xFFFFFFC0, v6;
	vm14 =	vlt.s32 v9, $0x0  }
0x24: {  	v9 =	vand.u32 $0xFFFFFFC0, v9;
	v4 =	vand.u32 $0xFFFFFFC0, v4;
	v5 =	vand.u32 $0xFFFFFFC0, v5  }
0x25: {  	v14 =	vand.u32 $0xFFFFFFC0, v14;
	vm15 =	vlt.s32 v19, $0x0;
	v19 =	vand.u32 $0xFFFFFFC0, v19  }
0x26: {  	s28 =	simm.s32 $0x39;
	v12 =	vsel vm1, s14, v12;
	v16 =	vsel vm12, s15, v8;
	v8 =	vsel vm3, s16, v13  }
0x27: {  	v10 =	vsel vm2, s13, v10;
	v13 =	vmov s28;
	v17 =	vsel vm14, s18, v17  }
0x28: {  	v15 =	vsel vm0, s24, v15;
	v3 =	vor.u32 v3, v10;
	v7 =	vor.u32 v7, v8  }
0x29: {  	v13 =	vsel vm13, s17, v13;
	v17 =	vor.u32 v9, v17;
	v5 =	vor.u32 v5, v12  }
0x2a: {  	v6 =	vor.u32 v6, v16;
	v4 =	vor.u32 v4, v15;
	v8 =	vmax.f32 v11, v7  }
0x2b: {  	v7 =	vmin.f32 v11, v7;
	v14 =	vor.u32 v14, v13;
	v10 =	vmax.f32 v8, v3  }
0x2c: {  	v18 =	vmin.f32 v11, v7;
	v7 =	vmax.f32 v11, v7;
	v3 =	vmin.f32 v8, v3  }
0x2d: {  	v9 =	vmin.f32 v11, v18;
	v8 =	vmax.f32 v11, v18;
	v18 =	vmin.f32 v7, v3  }
0x2e: {  	v3 =	vmax.f32 v7, v3;
	v7 =	vmin.f32 v10, v5;
	v5 =	vmax.f32 v10, v5  }
0x2f: {  	v21 =	vmax.f32 v8, v18;
	v22 =	vmin.f32 v11, v9;
	v12 =	vmax.f32 v11, v9  }
0x30: {  	v18 =	vmin.f32 v8, v18;
	v23 =	vmin.f32 v5, v17;
	v24 =	vmin.f32 v3, v7  }
0x31: {  	v3 =	vmax.f32 v3, v7;
	v5 =	vmax.f32 v5, v17;
	v10 =	vmin.f32 v11, v22  }
0x32: {  	v9 =	vmax.f32 v11, v22;
	v22 =	vmax.f32 v12, v18;
	v26 =	vmin.f32 v21, v24  }
0x33: {  	v16 =	vmax.f32 v21, v24;
	v17 =	vmin.f32 v3, v23;
	v25 =	vmin.f32 v11, v10  }
0x34: {  	v3 =	vmax.f32 v3, v23;
	v8 =	vmax.f32 v11, v10;
	v10 =	vmin.f32 v11, v25  }
0x35: {  	v27 =	vmax.f32 v22, v26;
	v13 =	vmin.f32 v22, v26;
	v7 =	vmax.f32 v11, v10  }
0x36: {  	v10 =	vmin.f32 v12, v18;
	v18 =	vmin.f32 v5, v6;
	v5 =	vmax.f32 v5, v6  }
0x37: {  	v11 =	vmax.f32 v11, v25;
	v12 =	vmax.f32 v9, v10;
	v6 =	vmax.f32 v5, v4  }
0x38: {  	v4 =	vmin.f32 v5, v4;
	v5 =	vmin.f32 v16, v17;
	v16 =	vmax.f32 v16, v17  }
0x39: {  	v17 =	vmax.f32 v3, v18;
	v18 =	vmin.f32 v3, v18;
	v15 =	vmax.f32 v6, v14  }
0x3a: {  	v21 =	vmax.f32 v12, v13;
	v14 =	vmin.f32 v6, v14;
	v6 =	vsel vm15, s30, v20  }
0x3b: {  	v20 =	vmax.f32 v16, v18;
	v22 =	vmin.f32 v17, v4;
	v4 =	vmax.f32 v17, v4  }
0x3c: {  	v3 =	vor.u32 v19, v6;
	v19 =	vmin.f32 v27, v5;
	v17 =	vmax.f32 v20, v22  }
0x3d: {  	v23 =	vmax.f32 v4, v14;
	v5 =	vmax.f32 v27, v5;
	v4 =	vmin.f32 v4, v14  }
0x3e: {  	v14 =	vmin.f32 v16, v18;
	v6 =	vmax.f32 v15, v3;
	v15 =	vmin.f32 v15, v3  }
0x3f: {  	v16 =	vmax.f32 v17, v4;
	v17 =	vmin.f32 v17, v4;
	v3 =	vmax.f32 v23, v15  }
0x40: {  	v18 =	vmin.f32 v23, v15;
	v23 =	vmax.f32 v5, v14;
	v5 =	vmin.f32 v5, v14  }
0x41: {  	v14 =	vmax.f32 v21, v19;
	v15 =	vmin.f32 v21, v19;
	v4 =	vmax.f32 v16, v18  }
0x42: {  	v63 =	vmax.f32 v14, v5;
	v14 =	vmin.f32 v14, v5;
	v5 =	vmin.f32 v20, v22  }
0x43: {  	v18 =	vmin.f32 v16, v18;
	v21 =	vmax.f32 v23, v5;
	v5 =	vmin.f32 v23, v5  }
0x44: {  	v19 =	vmax.f32 v63, v5;
	v20 =	vmax.f32 v21, v17;
	v21 =	vmin.f32 v21, v17  }
0x45: {  	s23 =	simm.s32 $0xF;
	s12 =	simm.s32 $0x30;
	v16 =	vmin.f32 v63, v5;
	v17 =	vmax.f32 v19, v21;
	v5 =	vmax.f32 v20, v18  }
.LBB2_3:
0x46: {  	s17 =	sadd.s32 $0xFFFFFFF9, s23  }
0x47: {  	s18 =	sadd.s32 $0xFFFFFFFA, s23;
	s20 =	sadd.s32 $0xFFFFFFFB, s23;
	v13 =	vmin.f32 v12, v13;
	v19 =	vmin.f32 v19, v21;
	v18 =	vmin.f32 v20, v18;
	s14 =	smov.u32 s23  }
0x48: {  	s16 =	sadd.s32 $0xFFFFFFFC, s23;
	s22 =	sadd.s32 $0xFFFFFFFD, s23;
	s21 =	sadd.s32 $0x1, s12;
	v20 =	vor.u32 s17, v2;
	v21 =	vor.u32 s18, v2;
	v12 =	vmax.f32 v17, v18  }
0x49: {  	s13 =	sadd.s32 $0x8, s23;
	v9 =	vmin.f32 v9, v10;
	v22 =	vor.u32 s16, v2;
	v23 =	vor.u32 s22, v2;
	s15 =	sadd.s32 $0xFFFFFFFE, s14;
	s19 =	sadd.s32 $0xFFFFFFFF, s14  }
0x4a: {  	p0 =	sne.s32 s23, $0x3F;
	v25 =	vmax.f32 v8, v9;
	v10 =	vor.u32 s15, v2;
	v24 =	vor.u32 s19, v2  }
0x4b: {  	v26 =	vor.u32 s20, v2;
	v8 =	vmin.f32 v8, v9;
	v9 =	vmin.f32 v25, v13  }
0x4c: {  	v27 =	vmax.f32 v11, v8;
	v8 =	vmin.f32 v11, v8;
	v11 =	vmin.f32 v17, v18  }
0x4d: {  	v13 =	vmax.f32 v25, v13;
	v18 =	vmax.f32 v27, v9;
	v9 =	vmin.f32 v27, v9;
	v17 =	vld.idx.msk [tilespmem:v21+s2+$0x0], $0xffff  }
0x4e: {  	v7 =	vmax.f32 v7, v8;
	v8 =	vmax.f32 v13, v15;
	v13 =	vmin.f32 v13, v15;
	v21 =	vld.idx.msk [tilespmem:v23+s2+$0x0], $0xffff  }
0x4f: {  	v15 =	vmax.f32 v18, v13;
	v13 =	vmin.f32 v18, v13;
	v18 =	vmax.f32 v8, v14;
	v10 =	vld.idx.msk [tilespmem:v10+s2+$0x0], $0xffff  }
0x50: {  	v8 =	vmin.f32 v8, v14;
	v14 =	vmax.f32 v18, v16;
	v16 =	vmin.f32 v18, v16;
	v23 =	vld.idx.msk [tilespmem:v26+s2+$0x0], $0xffff  }
0x51: {  	s23 =	sadd.s32 $0x6, s12;
	s24 =	sadd.s32 $0x5, s12;
	v7 =	vmax.f32 v7, v9;
	v9 =	vmax.f32 v15, v8;
	v18 =	vld.idx.msk [tilespmem:v24+s2+$0x0], $0xffff;
	v24 =	vmax.f32 v14, v19  }
0x52: {  	s25 =	sadd.s32 $0x7, s12;
	v25 =	vmov s23;
	v7 =	vmax.f32 v7, v13;
	v26 =	vmov s24;
	v20 =	vld.idx.msk [tilespmem:v20+s2+$0x0], $0xffff  }
0x53: {  	s23 =	sadd.s32 $0x3, s12;
	v13 =	vmov s25;
	v8 =	vmin.f32 v15, v8;
	v15 =	vmax.f32 v9, v16  }
0x54: {  	v27 =	vmov s23;
	s23 =	sadd.s32 $0x2, s12;
	v7 =	vmax.f32 v7, v8;
	v8 =	vmin.f32 v9, v16  }
0x55: {  	v7 =	vmax.f32 v7, v8;
	v16 =	vmax.f32 v24, v11;
	vm0 =	vlt.s32 v10, $0x0  }
0x56: {  	v9 =	vmin.f32 v14, v19;
	v8 =	vmov s23;
	vm1 =	vlt.s32 v23, $0x0  }
0x57: {  	vm2 =	vlt.s32 v17, $0x0;
	v14 =	vsel vm1, s20, v26;
	vm1 =	vlt.s32 v21, $0x0;
	v19 =	vld.idx.msk [tilespmem:v22+s2+$0x0], $0xffff  }
0x58: {  	v17 =	vand.u32 $0xFFFFFFC0, v17;
	vm3 =	vlt.s32 v20, $0x0;
	v22 =	vsel vm1, s22, v27  }
0x59: {  	v25 =	vsel vm2, s18, v25;
	v26 =	vmov s21;
	v13 =	vsel vm3, s17, v13  }
0x5a: {  	v17 =	vor.u32 v17, v25;
	v20 =	vand.u32 $0xFFFFFFC0, v20;
	vm1 =	vlt.s32 v18, $0x0  }
0x5b: {  	v13 =	vor.u32 v20, v13;
	v20 =	vand.u32 $0xFFFFFFC0, v21;
	v21 =	vsel vm1, s19, v26  }
0x5c: {  	s17 =	sadd.s32 $0x4, s12;
	v25 =	vmax.f32 v6, v13;
	v6 =	vmin.f32 v6, v13;
	v13 =	vmax.f32 v15, v9  }
0x5d: {  	v27 =	vmov s17;
	v26 =	vmax.f32 v25, v17;
	vm1 =	vlt.s32 v19, $0x0  }
0x5e: {  	v9 =	vmin.f32 v15, v9;
	v19 =	vand.u32 $0xFFFFFFC0, v19;
	v27 =	vsel vm1, s16, v27  }
0x5f: {  	v15 =	vmin.f32 v3, v6;
	v7 =	vmax.f32 v7, v9;
	v19 =	vor.u32 v19, v27  }
0x60: {  	v9 =	vor.u32 s14, v2;
	v27 =	vand.u32 $0xFFFFFFC0, v10  }
0x61: {  	v3 =	vmax.f32 v3, v6;
	v6 =	vmin.f32 v4, v15  }
0x62: {  	v10 =	vmin.f32 v25, v17;
	v17 =	vsel vm0, s15, v8  }
0x63: {  	v4 =	vmax.f32 v4, v15;
	v15 =	vmov s12;
	v8 =	vmin.f32 v3, v10  }
0x64: {  	v11 =	vmin.f32 v24, v11;
	v23 =	vand.u32 $0xFFFFFFC0, v23;
	v25 =	vmax.f32 v4, v8  }
0x65: {  	v14 =	vor.u32 v23, v14;
	v24 =	vmin.f32 v5, v6;
	v23 =	vld.idx.msk [tilespmem:v9+s2+$0x0], $0xffff;
	v9 =	vmin.f32 v13, v11  }
0x66: {  	v3 =	vmax.f32 v3, v10;
	v10 =	vmin.f32 v26, v14;
	v11 =	vmax.f32 v13, v11  }
0x67: {  	v5 =	vmax.f32 v5, v6;
	v6 =	vmax.f32 v26, v14;
	v7 =	vmax.f32 v7, v9  }
0x68: {  	v14 =	vmin.f32 v6, v19;
	v4 =	vmin.f32 v4, v8;
	v13 =	vmin.f32 v12, v24  }
0x69: {  	v9 =	vmax.f32 v12, v24;
	v24 =	vmax.f32 v5, v4;
	v12 =	vmin.f32 v3, v10  }
0x6a: {  	v8 =	vmax.f32 v16, v13;
	v13 =	vmin.f32 v16, v13;
	v16 =	vmin.f32 v25, v12  }
0x6b: {  	v3 =	vmax.f32 v3, v10;
	v26 =	vmin.f32 v11, v13;
	v28 =	vmax.f32 v24, v16  }
0x6c: {  	v18 =	vand.u32 $0xFFFFFFC0, v18;
	v20 =	vor.u32 v20, v22;
	v7 =	vmax.f32 v7, v26  }
0x6d: {  	v10 =	vmin.f32 v5, v4;
	v5 =	vmax.f32 v6, v19;
	v4 =	vmax.f32 v25, v12  }
0x6e: {  	v18 =	vor.u32 v18, v21;
	v12 =	vmax.f32 v9, v10;
	v6 =	vmin.f32 v3, v14  }
0x6f: {  	v19 =	vmin.f32 v5, v20;
	vm0 =	vlt.s32 v23, $0x0;
	v21 =	vand.u32 $0xFFFFFFC0, v23  }
0x70: {  	v11 =	vmax.f32 v11, v13;
	v5 =	vmax.f32 v5, v20;
	v13 =	vor.u32 v27, v17  }
0x71: {  	v3 =	vmax.f32 v3, v14;
	v14 =	vmax.f32 v5, v13;
	v5 =	vmin.f32 v5, v13  }
0x72: {  	v13 =	vmin.f32 v24, v16;
	v16 =	vmin.f32 v4, v6;
	v17 =	vmax.f32 v14, v18  }
0x73: {  	v20 =	vmax.f32 v12, v13;
	v14 =	vmin.f32 v14, v18;
	v15 =	vsel vm0, s14, v15  }
0x74: {  	v4 =	vmax.f32 v4, v6;
	v6 =	vmax.f32 v3, v19;
	v18 =	vmin.f32 v3, v19  }
0x75: {  	v22 =	vmin.f32 v6, v5;
	v19 =	vmax.f32 v4, v18;
	v3 =	vor.u32 v21, v15  }
0x76: {  	v5 =	vmax.f32 v6, v5;
	v15 =	vmin.f32 v28, v16;
	v6 =	vmax.f32 v17, v3  }
0x77: {  	v23 =	vmax.f32 v5, v14;
	v21 =	vmax.f32 v19, v22;
	v17 =	vmin.f32 v17, v3  }
0x78: {  	v5 =	vmin.f32 v5, v14;
	v16 =	vmax.f32 v28, v16;
	v3 =	vmax.f32 v23, v17  }
0x79: {  	v4 =	vmin.f32 v4, v18;
	v18 =	vmax.f32 v21, v5;
	v17 =	vmin.f32 v23, v17  }
0x7a: {  	v14 =	vmin.f32 v16, v4;
	v5 =	vmin.f32 v21, v5;
	v23 =	vmax.f32 v16, v4  }
.Ltmp0:
0x7b: {  	v16 =	vmax.f32 v20, v15;
	v15 =	vmin.f32 v20, v15;
	v4 =	vmax.f32 v18, v17;
	(pc) =	sbr.rel @p0 .LBB2_3-.Ltmp0, $4  }
0x7c: {  	v24 =	vmax.f32 v16, v14;
	v14 =	vmin.f32 v16, v14;
	v16 =	vmin.f32 v19, v22  }
0x7d: {  	v18 =	vmin.f32 v18, v17;
	v21 =	vmax.f32 v23, v16;
	v16 =	vmin.f32 v23, v16  }
0x7e: {  	v19 =	vmax.f32 v24, v16;
	v20 =	vmax.f32 v21, v5;
	v21 =	vmin.f32 v21, v5  }
0x7f: {  	s23 =	smov.u32 s13;
	s12 =	sadd.s32 $0xFFFFFFF8, s12;
	v16 =	vmin.f32 v24, v16;
	v17 =	vmax.f32 v19, v21;
	v5 =	vmax.f32 v20, v18  }
0x80: {  	v2 =	vmin.f32 v12, v13  }
0x81: {  	v40 =	vmin.f32 v19, v21;
	v41 =	vmin.f32 v20, v18;
	v9 =	vmin.f32 v9, v10  }
0x82: {  	v57 =	vand.u32 $0xFFFFFFC0, v6;
	v58 =	vand.u32 $0xFFFFFFC0, v3;
	v61 =	vand.u32 $0xFFFFFFC0, v4  }
0x83: {  	v63 =	vand.u32 $0xFFFFFFC0, v5;
	v10 =	vmax.f32 v17, v41;
	v42 =	vmax.f32 v8, v9  }
0x84: {  	v43 =	vmin.f32 v8, v9;
	v46 =	vmin.f32 v17, v41;
	v59 =	vsub.f32 v57, v57  }
0x85: {  	v13 =	vsub.f32 v58, v57;
	v44 =	vmin.f32 v42, v2;
	v45 =	vmax.f32 v11, v43  }
0x86: {  	v8 =	vmin.f32 v11, v43;
	v2 =	vmax.f32 v42, v2;
	v20 =	vand.u32 $0xFFFFFFC0, v10  }
0x87: {  	v47 =	vmax.f32 v45, v44;
	v9 =	vmin.f32 v45, v44;
	v48 =	vmax.f32 v2, v15  }
0x88: {  	v2 =	vmin.f32 v2, v15;
	v7 =	vmax.f32 v7, v8;
	v13 =	vmul.f32 $1.442695020e+00, v13  }
0x89: {  	v11 =	vsub.f32 v20, v57;
	v49 =	vmax.f32 v47, v2;
	v50 =	vmax.f32 v48, v14  }
0x8a: {  	v2 =	vmin.f32 v47, v2;
	v51 =	vmin.f32 v48, v14;
	v7 =	vmax.f32 v7, v9  }
0x8b: {  	v14 =	vsub.f32 v61, v57;
	v52 =	vmax.f32 v50, v16;
	v15 =	vmin.f32 v50, v16  }
0x8c: {  	v53 =	vmax.f32 v49, v51;
	v2 =	vmax.f32 v7, v2;
	v55 =	vmin.f32 v49, v51  }
0x8d: {  	v56 =	vmax.f32 v53, v15;
	v9 =	vmin.f32 v53, v15;
	v15 =	vmul.f32 $1.442695020e+00, v59  }
0x8e: {  	v54 =	vmax.f32 v52, v40;
	v2 =	vmax.f32 v2, v55;
	v12 =	vmin.f32 v52, v40  }
0x8f: {  	v18 =	vmul.f32 $1.442695020e+00, v14;
	v62 =	vmax.f32 v56, v12;
	(erf) = vpow2.f32 v15  }
0x90: {  	v8 =	vmin.f32 v56, v12;
	v12 =	vsub.f32 v63, v57;
	(erf) = vpow2.f32 v13  }
0x91: {  	v11 =	vmul.f32 $1.442695020e+00, v11;
	v2 =	vmax.f32 v2, v9;
	v60 =	vmax.f32 v54, v46  }
0x92: {  	v19 =	vmin.f32 v54, v46;
	v12 =	vmul.f32 $1.442695020e+00, v12;
	(erf) = vpow2.f32 v18  }
0x93: {  	v2 =	vmax.f32 v2, v8;
	v21 =	vmin.f32 v62, v19;
	v22 =	vand.u32 $0xFFFFFFC0, v60  }
0x94: {  	v8 =	vmax.f32 v62, v19;
	v23 =	vsub.f32 v22, v57;
	(erf) = vpow2.f32 v12  }
0x95: {  	v2 =	vmax.f32 v2, v21;
	v24 =	vand.u32 $0xFFFFFFC0, v8  }
0x96: {  	v26 =	vsub.f32 v24, v57;
	v25 =	vmul.f32 $1.442695020e+00, v23;
	(erf) = vpow2.f32 v11  }
0x97: {  	v27 =	vand.u32 $0xFFFFFFC0, v2  }
0x98: {  	v7 =	vsub.f32 v27, v57;
	v29 =	vmul.f32 $1.442695020e+00, v26;
	v28 =	vpop (erf);
	(erf) = vpow2.f32 v25  }
0x99: {  	v30 =	vpop (erf)  }
0x9a: {  	v7 =	vmul.f32 $1.442695020e+00, v7;
	(erf) = vpow2.f32 v29;
	v31 =	vadd.f32 v30, v28  }
0x9b: {  	v32 =	vpop (erf)  }
0x9c: {  	(erf) = vpow2.f32 v7;
	v33 =	vadd.f32 v32, v31  }
0x9d: {  	v34 =	vpop (erf)  }
0x9e: {  	v7 =	vadd.f32 v34, v33  }
0x9f: {  	v35 =	vpop (erf)  }
0xa0: {  	v7 =	vadd.f32 v35, v7  }
0xa1: {  	v36 =	vpop (erf)  }
0xa2: {  	v7 =	vadd.f32 v36, v7  }
0xa3: {  	v37 =	vpop (erf)  }
0xa4: {  	v7 =	vadd.f32 v37, v7  }
0xa5: {  	v38 =	vpop (erf)  }
0xa6: {  	v7 =	vadd.f32 v38, v7;
	_ =	sdelay $0x1  }
0xa7: {  	(erf) = vrcp.f32 v7;
	_ =	sdelay $0x6  }
0xa8: {  	v1 =	vshll.u32 v1, $0x3;
	_ =	sdelay $0x1  }
0xa9: {  	v39 =	vor.u32 $0x1, v1;
	v7 =	vpop (erf)  }
0xaa: {  	v40 =	vand.u32 $0x3F, v6;
	v14 =	vmul.f32 v7, v28  }
0xab: {  	vm0 =	vlt.s32 v6, $0x0;
	v42 =	vor.u32 $0x2, v1;
	v41 =	vxor.u32 $0x3F, v40  }
0xac: {  	v43 =	vand.u32 $0x3F, v3;
	v20 =	vsel vm0, v40, v41;
	v12 =	vmul.f32 v7, v30;
	[tilespmem:v1+s8+$0x0] =	vst.idx.msk $0xffff, v14  }
0xad: {  	vm9 =	vlt.s32 v3, $0x0;
	v3 =	vxor.u32 $0x3F, v43;
	v44 =	vor.u32 $0x3, v1;
	[tilespmem:v1+s9+$0x0] =	vst.idx.msk $0xffff, v20  }
0xae: {  	v45 =	vand.u32 $0x3F, v4;
	v3 =	vsel vm9, v43, v3;
	v46 =	vmul.f32 v7, v32;
	[tilespmem:v39+s8+$0x0] =	vst.idx.msk $0xffff, v12  }
0xaf: {  	vm10 =	vlt.s32 v4, $0x0;
	v47 =	vxor.u32 $0x3F, v45;
	[tilespmem:v39+s9+$0x0] =	vst.idx.msk $0xffff, v3;
	v3 =	vor.u32 $0x4, v1  }
0xb0: {  	v48 =	vand.u32 $0x3F, v5;
	v4 =	vsel vm10, v45, v47;
	v11 =	vmul.f32 v7, v34;
	[tilespmem:v42+s8+$0x0] =	vst.idx.msk $0xffff, v46  }
0xb1: {  	vm11 =	vlt.s32 v5, $0x0;
	v49 =	vxor.u32 $0x3F, v48;
	v50 =	vor.u32 $0x5, v1;
	[tilespmem:v42+s9+$0x0] =	vst.idx.msk $0xffff, v4  }
0xb2: {  	v51 =	vand.u32 $0x3F, v10;
	v5 =	vsel vm11, v48, v49;
	v52 =	vmul.f32 v7, v35;
	[tilespmem:v44+s8+$0x0] =	vst.idx.msk $0xffff, v11  }
0xb3: {  	vm12 =	vlt.s32 v10, $0x0;
	v53 =	vxor.u32 $0x3F, v51;
	v54 =	vor.u32 $0x6, v1;
	[tilespmem:v44+s9+$0x0] =	vst.idx.msk $0xffff, v5  }
0xb4: {  	v6 =	vsel vm12, v51, v53;
	v55 =	vand.u32 $0x3F, v60;
	v56 =	vmul.f32 v7, v36;
	[tilespmem:v3+s8+$0x0] =	vst.idx.msk $0xffff, v52  }
0xb5: {  	s11 =	sadd.s32 $0x1, s11;
	vm13 =	vlt.s32 v60, $0x0;
	v57 =	vxor.u32 $0x3F, v55;
	v1 =	vor.u32 $0x7, v1;
	[tilespmem:v3+s9+$0x0] =	vst.idx.msk $0xffff, v6  }
0xb6: {  	p0 =	sne.s32 s11, $0x20;
	v58 =	vand.u32 $0x3F, v8;
	v59 =	vmul.f32 v7, v37;
	v3 =	vsel vm13, v55, v57;
	[tilespmem:v50+s8+$0x0] =	vst.idx.msk $0xffff, v56  }
.Ltmp1:
0xb7: {  	vm14 =	vlt.s32 v8, $0x0;
	v60 =	vxor.u32 $0x3F, v58;
	[tilespmem:v50+s9+$0x0] =	vst.idx.msk $0xffff, v3;
	(pc) =	sbr.rel @p0 .LBB2_2-.Ltmp1, $4  }
0xb8: {  	v61 =	vand.u32 $0x3F, v2;
	v62 =	vmul.f32 v7, v38;
	v3 =	vsel vm14, v58, v60;
	[tilespmem:v54+s8+$0x0] =	vst.idx.msk $0xffff, v59  }
0xb9: {  	vm15 =	vlt.s32 v2, $0x0;
	v63 =	vxor.u32 $0x3F, v61;
	[tilespmem:v54+s9+$0x0] =	vst.idx.msk $0xffff, v3  }
0xba: {  	v2 =	vsel vm15, v61, v63;
	[tilespmem:v1+s8+$0x0] =	vst.idx.msk $0xffff, v62  }
0xbb: {  	[tilespmem:v1+s9+$0x0] =	vst.idx.msk $0xffff, v2  }
0xbc: {  	[hbm4b:s4+s2] =	stream.linear.scatter [tilespmem:s8], [sflag:$0x1], $0x1000, $0x38;
	[tilespmem:$0xA000] =	vst v63  }
0xbd: {  	s10 =	sadd.s32 $0x1, s10;
	_ =	swait.ge [sflag:s7], $0x1000  }
0xbe: {  	p0 =	sne.s32 s10, s6;
	[sflag:s7] =	ssyncset.done $0x0  }
.Ltmp2:
0xbf: {  	[sflag:s7] =	ssyncadd.s32 $0xFFFFF000;
	(pc) =	sbr.rel @p0 .LBB2_1-.Ltmp2, $4  }
0xc0: {  	[hbm4b:s5+s2] =	stream.linear.scatter [tilespmem:s9], [sflag:$0x1], $0x1000, $0x38;
	[tilespmem:$0xA000] =	vst v63  }
0xc1: {  	_ =	swait.ge [sflag:s7], $0x1000  }
0xc2: {  	[sflag:s7] =	ssyncset.done $0x0  }
0xc3: {  	[sflag:s7] =	ssyncadd.s32 $0xFFFFF000  }
0xc4: {  	_ =	sfence.sel $0x180000  }
0xc5: {  	[bflag:$0x0] =	sbarrier.arrive $0xFFFF  }
0xc6: {  	p0 =	sne.s32 s1, $0x0;
	_ =	strace $0x90000047  }
0xc7: {  	s0 =	sadd.s32 @!p0 $0x100000, s0;
	[bflag:$0x2] =	sbarrier.arrive $0xFFFF  }
0xc8: {  	[sflag:s0] =	ssyncadd.tile.s32 @!p0 $0x1;
	_ =	shalt  }
.Lfunc_end2:
_tile_overlayer_lowered:
.L_overlay_start_2:
0xc9: {  	(tag) =	ssettag $0x2  }
0xca: {  	s0 =	rddreg [dreg:$0x0];
	s2 =	stileid.u32  }
0xcb: {  	s1 =	rddreg [dreg:$0x1];
	p0 =	sne.s32 s2, $0x0  }
0xcc: {  	s3 =	rddreg [dreg:$0x2];
	[bflag:$0x3] =	sbarrier.arrive $0xFFFF;
	s2 =	simm.s32 @!p0 $0x1C01  }
0xcd: {  	[timem:s3], [sflag:s2] =	dma.local @!p0 [hbm:s0], s1  }
0xce: {  	s0 =	simm.s32 @!p0 $0x1  }
0xcf: {  	_ =	swait.ge @!p0 [sflag:s0], s1  }
0xd0: {  	s1 =	ssub.s32 @!p0 $0x0, s1;
	[sflag:s0] =	ssyncset.done @!p0 $0x0  }
0xd1: {  	[sflag:s0] =	ssyncadd.s32 @!p0 s1  }
0xd2: {  	[bflag:$0x3] =	sbarrier.arrive $0xFFFF  }
0xd3: {  	_ =	shalt  }

</sc_bundles>
